<compile_context>
chip_gen: v7x
topology: tpu7x:2x2x1
jax: 0.10.2.dev20260603
libtpu: 0.0.44.dev20260713+nightly
codegen_flags: <defaults>
</compile_context>

<pallas_src>
import functools

import jax
import jax.numpy as jnp
from jax import lax
from jax.experimental import pallas as pl
from jax.experimental.pallas import tpu as pltpu
from jax.experimental.pallas import tpu_sc as plsc

_NC = 50
_PW = 5.0
_QP = 304


def _dense_body(x_ref, pp_ref, lab_ref, tp_ref, big_ref, xl_scr, ppt_scr):
    B, Q, C = x_ref.shape
    T = lab_ref.shape[1]
    D = pp_ref.shape[2]

    x = x_ref[...]
    m = jnp.max(x, axis=2, keepdims=True)
    e = jnp.exp(x - m)

    labs = lab_ref[...]
    ci = lax.broadcasted_iota(jnp.int32, (B, T + 2, C), 2)
    ri = lax.broadcasted_iota(jnp.int32, (B, T + 2, C), 1)
    oh_lab = (ci == jnp.pad(labs, ((0, 0), (0, 2)))[:, :, None]).astype(jnp.float32)
    oh_bg = (ci == _NC).astype(jnp.float32)
    sel = jnp.where(ri < T, oh_lab, jnp.where(ri == T, 1.0, oh_bg))
    for b in range(B):
        xl_scr[b] = lax.dot_general(sel[b], e[b], (((1,), (1,)), ((), ())),
                                    preferred_element_type=jnp.float32)
    exl = xl_scr[:, :T, :]
    s_row = xl_scr[:, T:T + 1, :]
    ebg = xl_scr[:, T + 1:T + 2, :]

    cls_cost = -(exl / s_row)
    logls = jnp.log(s_row)
    lp = jnp.log(exl) - logls
    bg_lp = jnp.log(ebg) - logls
    ce_bg = -jnp.sum(bg_lp)

    di = lax.broadcasted_iota(jnp.int32, (D, D), 0)
    dj = lax.broadcasted_iota(jnp.int32, (D, D), 1)
    ident = (di == dj).astype(jnp.float32)
    pp = pp_ref[...]
    for b in range(B):
        ppt_scr[b] = lax.dot_general(ident, pp[b], (((1,), (1,)), ((), ())),
                                     preferred_element_type=jnp.float32)

    tp = tp_ref[...]
    poly = jnp.zeros((B, T, Q), dtype=jnp.float32)
    for d in range(D):
        a_d = ppt_scr[:, d:d + 1, :]
        b_d = tp[:, :, d:d + 1]
        poly = poly + jnp.abs(a_d - b_d)

    big_ref[0, :, :T, :Q] = cls_cost + _PW * poly
    big_ref[0, :, :T, Q:] = jnp.full((B, T, _QP - Q), jnp.inf, jnp.float32)
    big_ref[0, :, T:, :] = jnp.full((B, 1, _QP), jnp.inf, jnp.float32)
    big_ref[1, :, :T, :Q] = lp
    big_ref[1, :, :T, Q:] = jnp.zeros((B, T, _QP - Q), jnp.float32)
    big_ref[1, :, T:, :Q] = bg_lp
    big_ref[1, :, T:, Q:] = jnp.zeros((B, 1, _QP - Q), jnp.float32)
    big_ref[1:2, 0:1, T:, _QP - 1:_QP] = jnp.reshape(ce_bg, (1, 1, 1, 1))


def _sc_match(big, ce_scale, poly_scale):
    _, B, T1, QP = big.shape
    T = T1 - 1
    nj = QP // 16
    mesh = plsc.VectorSubcoreMesh(core_axis_name="c", subcore_axis_name="s",
                                  num_cores=1)

    @functools.partial(
        pl.kernel, mesh=mesh,
        compiler_params=pltpu.CompilerParams(needs_layout_passes=False),
        out_type=[
            jax.ShapeDtypeStruct((B * 16,), jnp.float32),
            jax.ShapeDtypeStruct((2,), jnp.float32),
        ],
        scratch_types=[
            pltpu.VMEM((T1, QP), jnp.float32),
            pltpu.VMEM((T1, QP), jnp.float32),
            pltpu.VMEM((B * 16,), jnp.float32),
            pltpu.VMEM((16,), jnp.float32),
            pltpu.SemaphoreType.DMA,
            pltpu.SemaphoreType.DMA,
        ],
    )
    def k(big_hbm, part_hbm, fin_hbm, c_v, lp_v, stag_v, out_v, s1, s2):
        cid = lax.axis_index("c")
        sid = lax.axis_index("s")

        @pl.when(cid == 0)
        def _():
            w = sid
            cp1 = pltpu.async_copy(big_hbm.at[0, w], c_v, s1)
            cp2 = pltpu.async_copy(big_hbm.at[1, w], lp_v, s2)
            cp1.wait()
            cp2.wait()
            il = lax.iota(jnp.int32, 16)
            z16 = jnp.zeros((16,), jnp.float32)

            def gstep(t, carry):
                pacc, cacc, used = carry
                bestv = jnp.full((16,), jnp.inf, jnp.float32)
                besti = jnp.full((16,), jnp.int32(2 ** 30))
                for j in range(nj):
                    mv = c_v[t, pl.ds(16 * j, 16)] + used[j]
                    upd = mv < bestv
                    bestv = jnp.where(upd, mv, bestv)
                    besti = jnp.where(upd, 16 * j + il, besti)
                mn = jnp.min(bestv)
                cand = jnp.where(bestv == mn, besti, jnp.int32(2 ** 30))
                i = jnp.min(cand)
                jstar = i // 16
                selv = il == (i - 16 * jstar)
                used = tuple(
                    jnp.where(jstar == j,
                              jnp.where(selv, jnp.float32(jnp.inf), used[j]),
                              used[j])
                    for j in range(nj))
                lpc = lp_v[t, pl.ds(16 * jstar, 16)]
                bgc = lp_v[T, pl.ds(16 * jstar, 16)]
                pacc = pacc + jnp.where(
                    selv, (mn + jnp.exp(lpc)) * jnp.float32(1.0 / _PW), 0.0)
                cacc = cacc + jnp.where(selv, bgc - lpc, 0.0)
                return pacc, cacc, used

            used0 = tuple(z16 for _ in range(nj))
            pacc, cacc, _ = lax.fori_loop(0, T, gstep, (z16, z16, used0))
            last = lp_v[T, pl.ds(QP - 16, 16)]
            cacc = cacc + jnp.where(il == 15, last, 0.0)
            csum = jnp.sum(cacc)
            psum = jnp.sum(pacc)
            out_v[...] = jnp.where(il == 0, csum,
                                   jnp.where(il == 1, psum, 0.0))
            pltpu.sync_copy(out_v, part_hbm.at[pl.ds(w * 16, 16)])
            plsc.subcore_barrier()

            @pl.when(sid == 0)
            def _():
                pltpu.sync_copy(part_hbm, stag_v)
                acc = jnp.zeros((16,), jnp.float32)
                for g in range(B):
                    acc = acc + stag_v[pl.ds(g * 16, 16)]
                scale = jnp.where(il == 0, jnp.float32(ce_scale),
                                  jnp.where(il == 1, jnp.float32(poly_scale),
                                            0.0))
                out_v[...] = acc * scale
                pltpu.sync_copy(out_v.at[pl.ds(0, 2)], fin_hbm)

    return k(big)


def kernel(pred_logits, pred_polylines, tgt_labels, tgt_polylines):
    B, Q, C = pred_logits.shape
    T = tgt_labels.shape[1]
    big = pl.pallas_call(
        _dense_body,
        out_shape=jax.ShapeDtypeStruct((2, B, T + 1, _QP), jnp.float32),
        scratch_shapes=[
            pltpu.VMEM((B, T + 2, Q), jnp.float32),
            pltpu.VMEM((B, pred_polylines.shape[2], Q), jnp.float32),
        ],
    )(pred_logits, pred_polylines, tgt_labels.astype(jnp.int32), tgt_polylines)
    _, fin = _sc_match(big, 1.0 / (B * Q), 1.0 / (B * T))
    return fin

# --- scband reference (transcript-rebuilt; emitter-appended) ---
"""Pipeline reference for scband-set-criterion-60387240182112 (READ-ONLY COPY).

The authoritative reference and input builder live on the scoring server;
editing this copy changes nothing except your own understanding.
"""

import jax, jax.numpy as jnp
import numpy as np

NUM_CLASSES = 50
POLY_WEIGHT = 5.0


def _greedy_assign(C):
    # C: [Q, T] cost matrix; greedy column-wise assignment (matcher is an
    # injected dependency in the original module; this is the chosen matcher impl).
    Q, T = C.shape

    def body(used, col):
        masked = jnp.where(used, jnp.inf, col)
        i = jnp.argmin(masked)
        used = used.at[i].set(True)
        return used, i.astype(jnp.int32)

    used0 = jnp.zeros(Q, dtype=bool)
    _, src = jax.lax.scan(body, used0, jnp.transpose(C))
    tgt = jnp.arange(T, dtype=jnp.int32)
    return src, tgt


def _match(pred_logits, pred_polylines, tgt_labels, tgt_polylines):
    probs = jax.nn.softmax(pred_logits, axis=-1)
    B = pred_logits.shape[0]
    srcs, tgts = [], []
    for b in range(B):
        cost_class = -probs[b][:, tgt_labels[b]]  # [Q, T]
        cost_poly = jnp.sum(jnp.abs(pred_polylines[b][:, None, :] - tgt_polylines[b][None, :, :]), axis=-1)
        C = cost_class + POLY_WEIGHT * cost_poly
        s, t = _greedy_assign(C)
        srcs.append(s)
        tgts.append(t)
    return srcs, tgts


def setup_inputs(seed: int = 0):
    key = jax.random.key(seed)
    k1, k2, k3, k4 = jax.random.split(key, 4)
    B, Q, T, D = 16, 300, 50, 40
    pred_logits = jax.random.normal(k1, (B, Q, NUM_CLASSES + 1), dtype=jnp.float32)
    pred_polylines = jax.random.uniform(k2, (B, Q, D), dtype=jnp.float32)
    tgt_labels = jax.random.randint(k3, (B, T), 0, 50)
    tgt_polylines = jax.random.uniform(k4, (B, T, D), dtype=jnp.float32)
    return {"pred_logits": pred_logits, "pred_polylines": pred_polylines,
            "tgt_labels": tgt_labels, "tgt_polylines": tgt_polylines}


def reference(pred_logits, pred_polylines, tgt_labels, tgt_polylines):
    B, Q, _ = pred_logits.shape
    T = tgt_labels.shape[1]
    srcs, tgts = _match(pred_logits, pred_polylines, tgt_labels, tgt_polylines)
    batch_idx = jnp.concatenate([jnp.full((T,), b, dtype=jnp.int32) for b in range(B)])
    src_idx = jnp.concatenate([jnp.asarray(s, dtype=jnp.int32) for s in srcs])
    tgt_sel = [jnp.asarray(t, dtype=jnp.int32) for t in tgts]
    # loss_labels
    target_classes_o = jnp.concatenate([tgt_labels[b][tgt_sel[b]] for b in range(B)])
    target_classes = jnp.full((B, Q), NUM_CLASSES, dtype=jnp.int32)
    target_classes = target_classes.at[batch_idx, src_idx].set(target_classes_o.astype(jnp.int32))
    logp = jax.nn.log_softmax(pred_logits, axis=-1)
    nll = -jnp.take_along_axis(logp, target_classes[..., None], axis=-1)[..., 0]
    loss_ce = jnp.mean(nll)
    # loss_polylines
    src_poly = pred_polylines[batch_idx, src_idx]
    tgt_poly = jnp.concatenate([tgt_polylines[b][tgt_sel[b]] for b in range(B)], axis=0)
    num_boxes = max(float(B * T), 1.0)
    loss_polyline = jnp.sum(jnp.abs(src_poly - tgt_poly)) / num_boxes
    return jnp.stack([loss_ce, loss_polyline])

if __name__ == "__main__":
    import jax
    _d = setup_inputs()
    print(jax.jit(kernel)(*tuple(_d.values())))

</pallas_src>

<mosaic_0001>
#map = affine_map<(d0, d1) -> (0, 0, 0, 0)>
#map1 = affine_map<(d0, d1) -> (0)>
module attributes {stable_mosaic.version = 14 : i64} {
  func.func @k(%arg0: i32, %arg1: i32, %arg2: memref<2x16x51x304xf32, #tpu.memory_space<hbm>>, %arg3: memref<256xf32, #tpu.memory_space<hbm>>, %arg4: memref<2xf32, #tpu.memory_space<hbm>>, %arg5: memref<51x304xf32, #tpu.memory_space<vmem>>, %arg6: memref<51x304xf32, #tpu.memory_space<vmem>>, %arg7: memref<256xf32, #tpu.memory_space<vmem>>, %arg8: memref<16xf32, #tpu.memory_space<vmem>>, %arg9: memref<!tpu.dma_semaphore, #tpu.memory_space<semaphore_mem>>, %arg10: memref<!tpu.dma_semaphore, #tpu.memory_space<semaphore_mem>>) attributes {dimension_semantics = [#tpu.dimension_semantics<core_parallel>, #tpu.dimension_semantics<subcore_parallel>], iteration_bounds = array<i64: 1, 16>, scalar_prefetch = 0 : i64, scratch_operands = 6 : i64, tpu.core_type = #tpu.core_type<sc_vector_subcore>, window_params = [{transform_indices = #map}, {transform_indices = #map1}, {transform_indices = #map1}]} {
    %eq3A = arith.constant 0 : i32
    %eq3A_0 = arith.cmpi eq, %arg0, %eq3A : i32
    %convert_element_type3A = arith.extui %eq3A_0 : i1 to i32
    %cond3A = arith.constant 0 : i32
    %cond3A_1 = arith.cmpi ne, %convert_element_type3A, %cond3A : i32
    scf.if %cond3A_1 {
      %dma_start3A = arith.constant 0 : i32
      %dma_start3A_2 = arith.constant 0 : i32
      %dma_start3A_3 = arith.constant 0 : i32
      %dma_start3A_4 = tpu.memref_slice %arg2[%dma_start3A, %arg1, %dma_start3A_2, %dma_start3A_3] : memref<2x16x51x304xf32, #tpu.memory_space<hbm>> -> memref<1x1x51x304xf32, #tpu.memory_space<hbm>>
      %dma_start3A_5 = tpu.memref_squeeze %dma_start3A_4 : memref<1x1x51x304xf32, #tpu.memory_space<hbm>> -> memref<51x304xf32, #tpu.memory_space<hbm>>
      %dma_start3A_6 = arith.constant 0 : i32
      %dma_start3A_7 = arith.constant 0 : i32
      %dma_start3A_8 = tpu.memref_slice %arg2[%dma_start3A, %arg1, %dma_start3A_6, %dma_start3A_7] : memref<2x16x51x304xf32, #tpu.memory_space<hbm>> -> memref<1x1x51x304xf32, #tpu.memory_space<hbm>>
      %dma_start3A_9 = tpu.memref_squeeze %dma_start3A_8 : memref<1x1x51x304xf32, #tpu.memory_space<hbm>> -> memref<51x304xf32, #tpu.memory_space<hbm>>
      tpu.enqueue_dma source(%dma_start3A_9 : memref<51x304xf32, #tpu.memory_space<hbm>>) target(%arg5 : memref<51x304xf32, #tpu.memory_space<vmem>>) target_semaphore(%arg9 : memref<!tpu.dma_semaphore, #tpu.memory_space<semaphore_mem>>)
      %dma_start3A_10 = arith.constant 1 : i32
      %dma_start3A_11 = arith.constant 0 : i32
      %dma_start3A_12 = arith.constant 0 : i32
      %dma_start3A_13 = tpu.memref_slice %arg2[%dma_start3A_10, %arg1, %dma_start3A_11, %dma_start3A_12] : memref<2x16x51x304xf32, #tpu.memory_space<hbm>> -> memref<1x1x51x304xf32, #tpu.memory_space<hbm>>
      %dma_start3A_14 = tpu.memref_squeeze %dma_start3A_13 : memref<1x1x51x304xf32, #tpu.memory_space<hbm>> -> memref<51x304xf32, #tpu.memory_space<hbm>>
      %dma_start3A_15 = arith.constant 0 : i32
      %dma_start3A_16 = arith.constant 0 : i32
      %dma_start3A_17 = tpu.memref_slice %arg2[%dma_start3A_10, %arg1, %dma_start3A_15, %dma_start3A_16] : memref<2x16x51x304xf32, #tpu.memory_space<hbm>> -> memref<1x1x51x304xf32, #tpu.memory_space<hbm>>
      %dma_start3A_18 = tpu.memref_squeeze %dma_start3A_17 : memref<1x1x51x304xf32, #tpu.memory_space<hbm>> -> memref<51x304xf32, #tpu.memory_space<hbm>>
      tpu.enqueue_dma source(%dma_start3A_18 : memref<51x304xf32, #tpu.memory_space<hbm>>) target(%arg6 : memref<51x304xf32, #tpu.memory_space<vmem>>) target_semaphore(%arg10 : memref<!tpu.dma_semaphore, #tpu.memory_space<semaphore_mem>>)
      %dma_wait3A = arith.constant 0 : i32
      %dma_wait3A_19 = arith.constant 0 : i32
      %dma_wait3A_20 = arith.constant 0 : i32
      %dma_wait3A_21 = tpu.memref_slice %arg2[%dma_wait3A, %arg1, %dma_wait3A_19, %dma_wait3A_20] : memref<2x16x51x304xf32, #tpu.memory_space<hbm>> -> memref<1x1x51x304xf32, #tpu.memory_space<hbm>>
      %dma_wait3A_22 = tpu.memref_squeeze %dma_wait3A_21 : memref<1x1x51x304xf32, #tpu.memory_space<hbm>> -> memref<51x304xf32, #tpu.memory_space<hbm>>
      %dma_wait3A_23 = arith.constant 0 : i32
      %dma_wait3A_24 = arith.constant 0 : i32
      %dma_wait3A_25 = tpu.memref_slice %arg2[%dma_wait3A, %arg1, %dma_wait3A_23, %dma_wait3A_24] : memref<2x16x51x304xf32, #tpu.memory_space<hbm>> -> memref<1x1x51x304xf32, #tpu.memory_space<hbm>>
      %dma_wait3A_26 = tpu.memref_squeeze %dma_wait3A_25 : memref<1x1x51x304xf32, #tpu.memory_space<hbm>> -> memref<51x304xf32, #tpu.memory_space<hbm>>
      tpu.wait_dma2 semaphore(%arg9 : memref<!tpu.dma_semaphore, #tpu.memory_space<semaphore_mem>>) src(%dma_wait3A_26 : memref<51x304xf32, #tpu.memory_space<hbm>>) dst(%arg5 : memref<51x304xf32, #tpu.memory_space<vmem>>)
      %dma_wait3A_27 = arith.constant 1 : i32
      %dma_wait3A_28 = arith.constant 0 : i32
      %dma_wait3A_29 = arith.constant 0 : i32
      %dma_wait3A_30 = tpu.memref_slice %arg2[%dma_wait3A_27, %arg1, %dma_wait3A_28, %dma_wait3A_29] : memref<2x16x51x304xf32, #tpu.memory_space<hbm>> -> memref<1x1x51x304xf32, #tpu.memory_space<hbm>>
      %dma_wait3A_31 = tpu.memref_squeeze %dma_wait3A_30 : memref<1x1x51x304xf32, #tpu.memory_space<hbm>> -> memref<51x304xf32, #tpu.memory_space<hbm>>
      %dma_wait3A_32 = arith.constant 0 : i32
      %dma_wait3A_33 = arith.constant 0 : i32
      %dma_wait3A_34 = tpu.memref_slice %arg2[%dma_wait3A_27, %arg1, %dma_wait3A_32, %dma_wait3A_33] : memref<2x16x51x304xf32, #tpu.memory_space<hbm>> -> memref<1x1x51x304xf32, #tpu.memory_space<hbm>>
      %dma_wait3A_35 = tpu.memref_squeeze %dma_wait3A_34 : memref<1x1x51x304xf32, #tpu.memory_space<hbm>> -> memref<51x304xf32, #tpu.memory_space<hbm>>
      tpu.wait_dma2 semaphore(%arg10 : memref<!tpu.dma_semaphore, #tpu.memory_space<semaphore_mem>>) src(%dma_wait3A_35 : memref<51x304xf32, #tpu.memory_space<hbm>>) dst(%arg6 : memref<51x304xf32, #tpu.memory_space<vmem>>)
      %iota3A = tpu.iota {dimensions = array<i32: 0>} : vector<16xi32>
      %broadcast_in_dim3A = arith.constant 0.000000e+00 : f32
      %broadcast_in_dim3A_36 = vector.broadcast %broadcast_in_dim3A : f32 to vector<16xf32>
      %scan3A = arith.constant 0 : i32
      %scan3A_37 = arith.constant 50 : i32
      %scan3A_38 = arith.addi %scan3A, %scan3A_37 : i32
      %scan3A_39 = arith.constant 1 : i32
      %scan3A_40:21 = scf.for %scan3A_75 = %scan3A to %scan3A_38 step %scan3A_39 iter_args(%scan3A_76 = %broadcast_in_dim3A_36, %scan3A_77 = %broadcast_in_dim3A_36, %scan3A_78 = %broadcast_in_dim3A_36, %scan3A_79 = %broadcast_in_dim3A_36, %scan3A_80 = %broadcast_in_dim3A_36, %scan3A_81 = %broadcast_in_dim3A_36, %scan3A_82 = %broadcast_in_dim3A_36, %scan3A_83 = %broadcast_in_dim3A_36, %scan3A_84 = %broadcast_in_dim3A_36, %scan3A_85 = %broadcast_in_dim3A_36, %scan3A_86 = %broadcast_in_dim3A_36, %scan3A_87 = %broadcast_in_dim3A_36, %scan3A_88 = %broadcast_in_dim3A_36, %scan3A_89 = %broadcast_in_dim3A_36, %scan3A_90 = %broadcast_in_dim3A_36, %scan3A_91 = %broadcast_in_dim3A_36, %scan3A_92 = %broadcast_in_dim3A_36, %scan3A_93 = %broadcast_in_dim3A_36, %scan3A_94 = %broadcast_in_dim3A_36, %scan3A_95 = %broadcast_in_dim3A_36, %scan3A_96 = %broadcast_in_dim3A_36) -> (vector<16xf32>, vector<16xf32>, vector<16xf32>, vector<16xf32>, vector<16xf32>, vector<16xf32>, vector<16xf32>, vector<16xf32>, vector<16xf32>, vector<16xf32>, vector<16xf32>, vector<16xf32>, vector<16xf32>, vector<16xf32>, vector<16xf32>, vector<16xf32>, vector<16xf32>, vector<16xf32>, vector<16xf32>, vector<16xf32>, vector<16xf32>)  : i32 {
        %broadcast_in_dim3A_97 = arith.constant 0x7F800000 : f32
        %broadcast_in_dim3A_98 = vector.broadcast %broadcast_in_dim3A_97 : f32 to vector<16xf32>
        %broadcast_in_dim3A_99 = arith.constant 1073741824 : i32
        %broadcast_in_dim3A_100 = vector.broadcast %broadcast_in_dim3A_99 : i32 to vector<16xi32>
        %get3A_101 = arith.index_cast %scan3A_75 : i32 to index
        %get3A_102 = arith.constant 0 : index
        %get3A_103 = tpu.vector_load %arg5[%get3A_101, %get3A_102] {strides = array<i32>} : memref<51x304xf32, #tpu.memory_space<vmem>>, vector<16xf32>,
        %add3A_104 = arith.addf %get3A_103, %scan3A_78 : vector<16xf32>
        %lt3A = arith.cmpf olt, %add3A_104, %broadcast_in_dim3A_98 : vector<16xf32>
        %select_n3A_105 = arith.select %lt3A, %add3A_104, %broadcast_in_dim3A_98 : vector<16xi1>, vector<16xf32>
        %add3A_106 = arith.constant 0 : i32
        %add3A_107 = vector.broadcast %add3A_106 : i32 to vector<16xi32>
        %add3A_108 = arith.addi %add3A_107, %iota3A : vector<16xi32>
        %select_n3A_109 = arith.select %lt3A, %add3A_108, %broadcast_in_dim3A_100 : vector<16xi1>, vector<16xi32>
        %get3A_110 = arith.index_cast %scan3A_75 : i32 to index
        %get3A_111 = arith.constant 16 : index
        %get3A_112 = tpu.vector_load %arg5[%get3A_110, %get3A_111] {strides = array<i32>} : memref<51x304xf32, #tpu.memory_space<vmem>>, vector<16xf32>,
        %add3A_113 = arith.addf %get3A_112, %scan3A_79 : vector<16xf32>
        %lt3A_114 = arith.cmpf olt, %add3A_113, %select_n3A_105 : vector<16xf32>
        %select_n3A_115 = arith.select %lt3A_114, %add3A_113, %select_n3A_105 : vector<16xi1>, vector<16xf32>
        %add3A_116 = arith.constant 16 : i32
        %add3A_117 = vector.broadcast %add3A_116 : i32 to vector<16xi32>
        %add3A_118 = arith.addi %add3A_117, %iota3A : vector<16xi32>
        %select_n3A_119 = arith.select %lt3A_114, %add3A_118, %select_n3A_109 : vector<16xi1>, vector<16xi32>
        %get3A_120 = arith.index_cast %scan3A_75 : i32 to index
        %get3A_121 = arith.constant 32 : index
        %get3A_122 = tpu.vector_load %arg5[%get3A_120, %get3A_121] {strides = array<i32>} : memref<51x304xf32, #tpu.memory_space<vmem>>, vector<16xf32>,
        %add3A_123 = arith.addf %get3A_122, %scan3A_80 : vector<16xf32>
        %lt3A_124 = arith.cmpf olt, %add3A_123, %select_n3A_115 : vector<16xf32>
        %select_n3A_125 = arith.select %lt3A_124, %add3A_123, %select_n3A_115 : vector<16xi1>, vector<16xf32>
        %add3A_126 = arith.constant 32 : i32
        %add3A_127 = vector.broadcast %add3A_126 : i32 to vector<16xi32>
        %add3A_128 = arith.addi %add3A_127, %iota3A : vector<16xi32>
        %select_n3A_129 = arith.select %lt3A_124, %add3A_128, %select_n3A_119 : vector<16xi1>, vector<16xi32>
        %get3A_130 = arith.index_cast %scan3A_75 : i32 to index
        %get3A_131 = arith.constant 48 : index
        %get3A_132 = tpu.vector_load %arg5[%get3A_130, %get3A_131] {strides = array<i32>} : memref<51x304xf32, #tpu.memory_space<vmem>>, vector<16xf32>,
        %add3A_133 = arith.addf %get3A_132, %scan3A_81 : vector<16xf32>
        %lt3A_134 = arith.cmpf olt, %add3A_133, %select_n3A_125 : vector<16xf32>
        %select_n3A_135 = arith.select %lt3A_134, %add3A_133, %select_n3A_125 : vector<16xi1>, vector<16xf32>
        %add3A_136 = arith.constant 48 : i32
        %add3A_137 = vector.broadcast %add3A_136 : i32 to vector<16xi32>
        %add3A_138 = arith.addi %add3A_137, %iota3A : vector<16xi32>
        %select_n3A_139 = arith.select %lt3A_134, %add3A_138, %select_n3A_129 : vector<16xi1>, vector<16xi32>
        %get3A_140 = arith.index_cast %scan3A_75 : i32 to index
        %get3A_141 = arith.constant 64 : index
        %get3A_142 = tpu.vector_load %arg5[%get3A_140, %get3A_141] {strides = array<i32>} : memref<51x304xf32, #tpu.memory_space<vmem>>, vector<16xf32>,
        %add3A_143 = arith.addf %get3A_142, %scan3A_82 : vector<16xf32>
        %lt3A_144 = arith.cmpf olt, %add3A_143, %select_n3A_135 : vector<16xf32>
        %select_n3A_145 = arith.select %lt3A_144, %add3A_143, %select_n3A_135 : vector<16xi1>, vector<16xf32>
        %add3A_146 = arith.constant 64 : i32
        %add3A_147 = vector.broadcast %add3A_146 : i32 to vector<16xi32>
        %add3A_148 = arith.addi %add3A_147, %iota3A : vector<16xi32>
        %select_n3A_149 = arith.select %lt3A_144, %add3A_148, %select_n3A_139 : vector<16xi1>, vector<16xi32>
        %get3A_150 = arith.index_cast %scan3A_75 : i32 to index
        %get3A_151 = arith.constant 80 : index
        %get3A_152 = tpu.vector_load %arg5[%get3A_150, %get3A_151] {strides = array<i32>} : memref<51x304xf32, #tpu.memory_space<vmem>>, vector<16xf32>,
        %add3A_153 = arith.addf %get3A_152, %scan3A_83 : vector<16xf32>
        %lt3A_154 = arith.cmpf olt, %add3A_153, %select_n3A_145 : vector<16xf32>
        %select_n3A_155 = arith.select %lt3A_154, %add3A_153, %select_n3A_145 : vector<16xi1>, vector<16xf32>
        %add3A_156 = arith.constant 80 : i32
        %add3A_157 = vector.broadcast %add3A_156 : i32 to vector<16xi32>
        %add3A_158 = arith.addi %add3A_157, %iota3A : vector<16xi32>
        %select_n3A_159 = arith.select %lt3A_154, %add3A_158, %select_n3A_149 : vector<16xi1>, vector<16xi32>
        %get3A_160 = arith.index_cast %scan3A_75 : i32 to index
        %get3A_161 = arith.constant 96 : index
        %get3A_162 = tpu.vector_load %arg5[%get3A_160, %get3A_161] {strides = array<i32>} : memref<51x304xf32, #tpu.memory_space<vmem>>, vector<16xf32>,
        %add3A_163 = arith.addf %get3A_162, %scan3A_84 : vector<16xf32>
        %lt3A_164 = arith.cmpf olt, %add3A_163, %select_n3A_155 : vector<16xf32>
        %select_n3A_165 = arith.select %lt3A_164, %add3A_163, %select_n3A_155 : vector<16xi1>, vector<16xf32>
        %add3A_166 = arith.constant 96 : i32
        %add3A_167 = vector.broadcast %add3A_166 : i32 to vector<16xi32>
        %add3A_168 = arith.addi %add3A_167, %iota3A : vector<16xi32>
        %select_n3A_169 = arith.select %lt3A_164, %add3A_168, %select_n3A_159 : vector<16xi1>, vector<16xi32>
        %get3A_170 = arith.index_cast %scan3A_75 : i32 to index
        %get3A_171 = arith.constant 112 : index
        %get3A_172 = tpu.vector_load %arg5[%get3A_170, %get3A_171] {strides = array<i32>} : memref<51x304xf32, #tpu.memory_space<vmem>>, vector<16xf32>,
        %add3A_173 = arith.addf %get3A_172, %scan3A_85 : vector<16xf32>
        %lt3A_174 = arith.cmpf olt, %add3A_173, %select_n3A_165 : vector<16xf32>
        %select_n3A_175 = arith.select %lt3A_174, %add3A_173, %select_n3A_165 : vector<16xi1>, vector<16xf32>
        %add3A_176 = arith.constant 112 : i32
        %add3A_177 = vector.broadcast %add3A_176 : i32 to vector<16xi32>
        %add3A_178 = arith.addi %add3A_177, %iota3A : vector<16xi32>
        %select_n3A_179 = arith.select %lt3A_174, %add3A_178, %select_n3A_169 : vector<16xi1>, vector<16xi32>
        %get3A_180 = arith.index_cast %scan3A_75 : i32 to index
        %get3A_181 = arith.constant 128 : index
        %get3A_182 = tpu.vector_load %arg5[%get3A_180, %get3A_181] {strides = array<i32>} : memref<51x304xf32, #tpu.memory_space<vmem>>, vector<16xf32>,
        %add3A_183 = arith.addf %get3A_182, %scan3A_86 : vector<16xf32>
        %lt3A_184 = arith.cmpf olt, %add3A_183, %select_n3A_175 : vector<16xf32>
        %select_n3A_185 = arith.select %lt3A_184, %add3A_183, %select_n3A_175 : vector<16xi1>, vector<16xf32>
        %add3A_186 = arith.constant 128 : i32
        %add3A_187 = vector.broadcast %add3A_186 : i32 to vector<16xi32>
        %add3A_188 = arith.addi %add3A_187, %iota3A : vector<16xi32>
        %select_n3A_189 = arith.select %lt3A_184, %add3A_188, %select_n3A_179 : vector<16xi1>, vector<16xi32>
        %get3A_190 = arith.index_cast %scan3A_75 : i32 to index
        %get3A_191 = arith.constant 144 : index
        %get3A_192 = tpu.vector_load %arg5[%get3A_190, %get3A_191] {strides = array<i32>} : memref<51x304xf32, #tpu.memory_space<vmem>>, vector<16xf32>,
        %add3A_193 = arith.addf %get3A_192, %scan3A_87 : vector<16xf32>
        %lt3A_194 = arith.cmpf olt, %add3A_193, %select_n3A_185 : vector<16xf32>
        %select_n3A_195 = arith.select %lt3A_194, %add3A_193, %select_n3A_185 : vector<16xi1>, vector<16xf32>
        %add3A_196 = arith.constant 144 : i32
        %add3A_197 = vector.broadcast %add3A_196 : i32 to vector<16xi32>
        %add3A_198 = arith.addi %add3A_197, %iota3A : vector<16xi32>
        %select_n3A_199 = arith.select %lt3A_194, %add3A_198, %select_n3A_189 : vector<16xi1>, vector<16xi32>
        %get3A_200 = arith.index_cast %scan3A_75 : i32 to index
        %get3A_201 = arith.constant 160 : index
        %get3A_202 = tpu.vector_load %arg5[%get3A_200, %get3A_201] {strides = array<i32>} : memref<51x304xf32, #tpu.memory_space<vmem>>, vector<16xf32>,
        %add3A_203 = arith.addf %get3A_202, %scan3A_88 : vector<16xf32>
        %lt3A_204 = arith.cmpf olt, %add3A_203, %select_n3A_195 : vector<16xf32>
        %select_n3A_205 = arith.select %lt3A_204, %add3A_203, %select_n3A_195 : vector<16xi1>, vector<16xf32>
        %add3A_206 = arith.constant 160 : i32
        %add3A_207 = vector.broadcast %add3A_206 : i32 to vector<16xi32>
        %add3A_208 = arith.addi %add3A_207, %iota3A : vector<16xi32>
        %select_n3A_209 = arith.select %lt3A_204, %add3A_208, %select_n3A_199 : vector<16xi1>, vector<16xi32>
        %get3A_210 = arith.index_cast %scan3A_75 : i32 to index
        %get3A_211 = arith.constant 176 : index
        %get3A_212 = tpu.vector_load %arg5[%get3A_210, %get3A_211] {strides = array<i32>} : memref<51x304xf32, #tpu.memory_space<vmem>>, vector<16xf32>,
        %add3A_213 = arith.addf %get3A_212, %scan3A_89 : vector<16xf32>
        %lt3A_214 = arith.cmpf olt, %add3A_213, %select_n3A_205 : vector<16xf32>
        %select_n3A_215 = arith.select %lt3A_214, %add3A_213, %select_n3A_205 : vector<16xi1>, vector<16xf32>
        %add3A_216 = arith.constant 176 : i32
        %add3A_217 = vector.broadcast %add3A_216 : i32 to vector<16xi32>
        %add3A_218 = arith.addi %add3A_217, %iota3A : vector<16xi32>
        %select_n3A_219 = arith.select %lt3A_214, %add3A_218, %select_n3A_209 : vector<16xi1>, vector<16xi32>
        %get3A_220 = arith.index_cast %scan3A_75 : i32 to index
        %get3A_221 = arith.constant 192 : index
        %get3A_222 = tpu.vector_load %arg5[%get3A_220, %get3A_221] {strides = array<i32>} : memref<51x304xf32, #tpu.memory_space<vmem>>, vector<16xf32>,
        %add3A_223 = arith.addf %get3A_222, %scan3A_90 : vector<16xf32>
        %lt3A_224 = arith.cmpf olt, %add3A_223, %select_n3A_215 : vector<16xf32>
        %select_n3A_225 = arith.select %lt3A_224, %add3A_223, %select_n3A_215 : vector<16xi1>, vector<16xf32>
        %add3A_226 = arith.constant 192 : i32
        %add3A_227 = vector.broadcast %add3A_226 : i32 to vector<16xi32>
        %add3A_228 = arith.addi %add3A_227, %iota3A : vector<16xi32>
        %select_n3A_229 = arith.select %lt3A_224, %add3A_228, %select_n3A_219 : vector<16xi1>, vector<16xi32>
        %get3A_230 = arith.index_cast %scan3A_75 : i32 to index
        %get3A_231 = arith.constant 208 : index
        %get3A_232 = tpu.vector_load %arg5[%get3A_230, %get3A_231] {strides = array<i32>} : memref<51x304xf32, #tpu.memory_space<vmem>>, vector<16xf32>,
        %add3A_233 = arith.addf %get3A_232, %scan3A_91 : vector<16xf32>
        %lt3A_234 = arith.cmpf olt, %add3A_233, %select_n3A_225 : vector<16xf32>
        %select_n3A_235 = arith.select %lt3A_234, %add3A_233, %select_n3A_225 : vector<16xi1>, vector<16xf32>
        %add3A_236 = arith.constant 208 : i32
        %add3A_237 = vector.broadcast %add3A_236 : i32 to vector<16xi32>
        %add3A_238 = arith.addi %add3A_237, %iota3A : vector<16xi32>
        %select_n3A_239 = arith.select %lt3A_234, %add3A_238, %select_n3A_229 : vector<16xi1>, vector<16xi32>
        %get3A_240 = arith.index_cast %scan3A_75 : i32 to index
        %get3A_241 = arith.constant 224 : index
        %get3A_242 = tpu.vector_load %arg5[%get3A_240, %get3A_241] {strides = array<i32>} : memref<51x304xf32, #tpu.memory_space<vmem>>, vector<16xf32>,
        %add3A_243 = arith.addf %get3A_242, %scan3A_92 : vector<16xf32>
        %lt3A_244 = arith.cmpf olt, %add3A_243, %select_n3A_235 : vector<16xf32>
        %select_n3A_245 = arith.select %lt3A_244, %add3A_243, %select_n3A_235 : vector<16xi1>, vector<16xf32>
        %add3A_246 = arith.constant 224 : i32
        %add3A_247 = vector.broadcast %add3A_246 : i32 to vector<16xi32>
        %add3A_248 = arith.addi %add3A_247, %iota3A : vector<16xi32>
        %select_n3A_249 = arith.select %lt3A_244, %add3A_248, %select_n3A_239 : vector<16xi1>, vector<16xi32>
        %get3A_250 = arith.index_cast %scan3A_75 : i32 to index
        %get3A_251 = arith.constant 240 : index
        %get3A_252 = tpu.vector_load %arg5[%get3A_250, %get3A_251] {strides = array<i32>} : memref<51x304xf32, #tpu.memory_space<vmem>>, vector<16xf32>,
        %add3A_253 = arith.addf %get3A_252, %scan3A_93 : vector<16xf32>
        %lt3A_254 = arith.cmpf olt, %add3A_253, %select_n3A_245 : vector<16xf32>
        %select_n3A_255 = arith.select %lt3A_254, %add3A_253, %select_n3A_245 : vector<16xi1>, vector<16xf32>
        %add3A_256 = arith.constant 240 : i32
        %add3A_257 = vector.broadcast %add3A_256 : i32 to vector<16xi32>
        %add3A_258 = arith.addi %add3A_257, %iota3A : vector<16xi32>
        %select_n3A_259 = arith.select %lt3A_254, %add3A_258, %select_n3A_249 : vector<16xi1>, vector<16xi32>
        %get3A_260 = arith.index_cast %scan3A_75 : i32 to index
        %get3A_261 = arith.constant 256 : index
        %get3A_262 = tpu.vector_load %arg5[%get3A_260, %get3A_261] {strides = array<i32>} : memref<51x304xf32, #tpu.memory_space<vmem>>, vector<16xf32>,
        %add3A_263 = arith.addf %get3A_262, %scan3A_94 : vector<16xf32>
        %lt3A_264 = arith.cmpf olt, %add3A_263, %select_n3A_255 : vector<16xf32>
        %select_n3A_265 = arith.select %lt3A_264, %add3A_263, %select_n3A_255 : vector<16xi1>, vector<16xf32>
        %add3A_266 = arith.constant 256 : i32
        %add3A_267 = vector.broadcast %add3A_266 : i32 to vector<16xi32>
        %add3A_268 = arith.addi %add3A_267, %iota3A : vector<16xi32>
        %select_n3A_269 = arith.select %lt3A_264, %add3A_268, %select_n3A_259 : vector<16xi1>, vector<16xi32>
        %get3A_270 = arith.index_cast %scan3A_75 : i32 to index
        %get3A_271 = arith.constant 272 : index
        %get3A_272 = tpu.vector_load %arg5[%get3A_270, %get3A_271] {strides = array<i32>} : memref<51x304xf32, #tpu.memory_space<vmem>>, vector<16xf32>,
        %add3A_273 = arith.addf %get3A_272, %scan3A_95 : vector<16xf32>
        %lt3A_274 = arith.cmpf olt, %add3A_273, %select_n3A_265 : vector<16xf32>
        %select_n3A_275 = arith.select %lt3A_274, %add3A_273, %select_n3A_265 : vector<16xi1>, vector<16xf32>
        %add3A_276 = arith.constant 272 : i32
        %add3A_277 = vector.broadcast %add3A_276 : i32 to vector<16xi32>
        %add3A_278 = arith.addi %add3A_277, %iota3A : vector<16xi32>
        %select_n3A_279 = arith.select %lt3A_274, %add3A_278, %select_n3A_269 : vector<16xi1>, vector<16xi32>
        %get3A_280 = arith.index_cast %scan3A_75 : i32 to index
        %get3A_281 = arith.constant 288 : index
        %get3A_282 = tpu.vector_load %arg5[%get3A_280, %get3A_281] {strides = array<i32>} : memref<51x304xf32, #tpu.memory_space<vmem>>, vector<16xf32>,
        %add3A_283 = arith.addf %get3A_282, %scan3A_96 : vector<16xf32>
        %lt3A_284 = arith.cmpf olt, %add3A_283, %select_n3A_275 : vector<16xf32>
        %select_n3A_285 = arith.select %lt3A_284, %add3A_283, %select_n3A_275 : vector<16xi1>, vector<16xf32>
        %add3A_286 = arith.constant 288 : i32
        %add3A_287 = vector.broadcast %add3A_286 : i32 to vector<16xi32>
        %add3A_288 = arith.addi %add3A_287, %iota3A : vector<16xi32>
        %select_n3A_289 = arith.select %lt3A_284, %add3A_288, %select_n3A_279 : vector<16xi1>, vector<16xi32>
        %reduce_min3A = arith.constant true
        %reduce_min3A_290 = vector.broadcast %reduce_min3A : i1 to vector<16xi1>
        %reduce_min3A_291 = tpu.scan <min>, %select_n3A_285 masked %reduce_min3A_290 : vector<16xf32>, vector<16xi1> -> vector<16xf32>
        %reduce_min3A_292 = vector.extract %reduce_min3A_291[15] : f32 from vector<16xf32>
        %eq3A_293 = vector.broadcast %reduce_min3A_292 : f32 to vector<16xf32>
        %eq3A_294 = arith.cmpf oeq, %select_n3A_285, %eq3A_293 : vector<16xf32>
        %jit3A_295 = arith.constant 1073741824 : i32
        %broadcast_in_dim3A_296 = vector.broadcast %jit3A_295 : i32 to vector<16xi32>
        %select_n3A_297 = arith.select %eq3A_294, %select_n3A_289, %broadcast_in_dim3A_296 : vector<16xi1>, vector<16xi32>
        %reduce_min3A_298 = arith.constant true
        %reduce_min3A_299 = vector.broadcast %reduce_min3A_298 : i1 to vector<16xi1>
        %reduce_min3A_300 = arith.constant -2147483648 : i32
        %reduce_min3A_301 = vector.broadcast %reduce_min3A_300 : i32 to vector<16xi32>
        %reduce_min3A_302 = arith.xori %select_n3A_297, %reduce_min3A_301 : vector<16xi32>
        %reduce_min3A_303 = tpu.scan <min>, %reduce_min3A_302 masked %reduce_min3A_299 : vector<16xi32>, vector<16xi1> -> vector<16xi32>
        %reduce_min3A_304 = arith.xori %reduce_min3A_303, %reduce_min3A_301 : vector<16xi32>
        %reduce_min3A_305 = vector.extract %reduce_min3A_304[15] : i32 from vector<16xi32>
        %jit3A_306 = arith.constant 16 : i32
        %div3A = arith.divsi %reduce_min3A_305, %jit3A_306 : i32
        %sign3A = arith.constant 0 : i32
        %sign3A_307 = arith.cmpi sgt, %reduce_min3A_305, %sign3A : i32
        %sign3A_308 = arith.extui %sign3A_307 : i1 to i32
        %sign3A_309 = arith.constant 0 : i32
        %sign3A_310 = arith.cmpi slt, %reduce_min3A_305, %sign3A_309 : i32
        %sign3A_311 = arith.extui %sign3A_310 : i1 to i32
        %sign3A_312 = arith.subi %sign3A_308, %sign3A_311 : i32
        %sign3A_313 = arith.constant 0 : i32
        %sign3A_314 = arith.cmpi sgt, %jit3A_306, %sign3A_313 : i32
        %sign3A_315 = arith.extui %sign3A_314 : i1 to i32
        %sign3A_316 = arith.constant 0 : i32
        %sign3A_317 = arith.cmpi slt, %jit3A_306, %sign3A_316 : i32
        %sign3A_318 = arith.extui %sign3A_317 : i1 to i32
        %sign3A_319 = arith.subi %sign3A_315, %sign3A_318 : i32
        %ne3A = arith.cmpi ne, %sign3A_312, %sign3A_319 : i32
        %rem3A = arith.remsi %reduce_min3A_305, %jit3A_306 : i32
        %ne3A_320 = arith.constant 0 : i32
        %ne3A_321 = arith.cmpi ne, %rem3A, %ne3A_320 : i32
        %and3A = arith.andi %ne3A, %ne3A_321 : i1
        %sub3A = arith.constant 1 : i32
        %sub3A_322 = arith.subi %div3A, %sub3A : i32
        %select_n3A_323 = arith.select %and3A, %sub3A_322, %div3A : i32
        %mul3A_324 = arith.constant 16 : i32
        %mul3A_325 = arith.muli %mul3A_324, %select_n3A_323 : i32
        %sub3A_326 = arith.subi %reduce_min3A_305, %mul3A_325 : i32
        %eq3A_327 = vector.broadcast %sub3A_326 : i32 to vector<16xi32>
        %eq3A_328 = arith.cmpi eq, %iota3A, %eq3A_327 : vector<16xi32>
        %eq3A_329 = arith.constant 0 : i32
        %eq3A_330 = arith.cmpi eq, %select_n3A_323, %eq3A_329 : i32
        %jit3A_331 = arith.constant 0x7F800000 : f32
        %broadcast_in_dim3A_332 = vector.broadcast %jit3A_331 : f32 to vector<16xf32>
        %select_n3A_333 = arith.select %eq3A_328, %broadcast_in_dim3A_332, %scan3A_78 : vector<16xi1>, vector<16xf32>
        %select_n3A_334 = arith.select %eq3A_330, %select_n3A_333, %scan3A_78 : vector<16xf32>
        %eq3A_335 = arith.constant 1 : i32
        %eq3A_336 = arith.cmpi eq, %select_n3A_323, %eq3A_335 : i32
        %jit3A_337 = arith.constant 0x7F800000 : f32
        %broadcast_in_dim3A_338 = vector.broadcast %jit3A_337 : f32 to vector<16xf32>
        %select_n3A_339 = arith.select %eq3A_328, %broadcast_in_dim3A_338, %scan3A_79 : vector<16xi1>, vector<16xf32>
        %select_n3A_340 = arith.select %eq3A_336, %select_n3A_339, %scan3A_79 : vector<16xf32>
        %eq3A_341 = arith.constant 2 : i32
        %eq3A_342 = arith.cmpi eq, %select_n3A_323, %eq3A_341 : i32
        %jit3A_343 = arith.constant 0x7F800000 : f32
        %broadcast_in_dim3A_344 = vector.broadcast %jit3A_343 : f32 to vector<16xf32>
        %select_n3A_345 = arith.select %eq3A_328, %broadcast_in_dim3A_344, %scan3A_80 : vector<16xi1>, vector<16xf32>
        %select_n3A_346 = arith.select %eq3A_342, %select_n3A_345, %scan3A_80 : vector<16xf32>
        %eq3A_347 = arith.constant 3 : i32
        %eq3A_348 = arith.cmpi eq, %select_n3A_323, %eq3A_347 : i32
        %jit3A_349 = arith.constant 0x7F800000 : f32
        %broadcast_in_dim3A_350 = vector.broadcast %jit3A_349 : f32 to vector<16xf32>
        %select_n3A_351 = arith.select %eq3A_328, %broadcast_in_dim3A_350, %scan3A_81 : vector<16xi1>, vector<16xf32>
        %select_n3A_352 = arith.select %eq3A_348, %select_n3A_351, %scan3A_81 : vector<16xf32>
        %eq3A_353 = arith.constant 4 : i32
        %eq3A_354 = arith.cmpi eq, %select_n3A_323, %eq3A_353 : i32
        %jit3A_355 = arith.constant 0x7F800000 : f32
        %broadcast_in_dim3A_356 = vector.broadcast %jit3A_355 : f32 to vector<16xf32>
        %select_n3A_357 = arith.select %eq3A_328, %broadcast_in_dim3A_356, %scan3A_82 : vector<16xi1>, vector<16xf32>
        %select_n3A_358 = arith.select %eq3A_354, %select_n3A_357, %scan3A_82 : vector<16xf32>
        %eq3A_359 = arith.constant 5 : i32
        %eq3A_360 = arith.cmpi eq, %select_n3A_323, %eq3A_359 : i32
        %jit3A_361 = arith.constant 0x7F800000 : f32
        %broadcast_in_dim3A_362 = vector.broadcast %jit3A_361 : f32 to vector<16xf32>
        %select_n3A_363 = arith.select %eq3A_328, %broadcast_in_dim3A_362, %scan3A_83 : vector<16xi1>, vector<16xf32>
        %select_n3A_364 = arith.select %eq3A_360, %select_n3A_363, %scan3A_83 : vector<16xf32>
        %eq3A_365 = arith.constant 6 : i32
        %eq3A_366 = arith.cmpi eq, %select_n3A_323, %eq3A_365 : i32
        %jit3A_367 = arith.constant 0x7F800000 : f32
        %broadcast_in_dim3A_368 = vector.broadcast %jit3A_367 : f32 to vector<16xf32>
        %select_n3A_369 = arith.select %eq3A_328, %broadcast_in_dim3A_368, %scan3A_84 : vector<16xi1>, vector<16xf32>
        %select_n3A_370 = arith.select %eq3A_366, %select_n3A_369, %scan3A_84 : vector<16xf32>
        %eq3A_371 = arith.constant 7 : i32
        %eq3A_372 = arith.cmpi eq, %select_n3A_323, %eq3A_371 : i32
        %jit3A_373 = arith.constant 0x7F800000 : f32
        %broadcast_in_dim3A_374 = vector.broadcast %jit3A_373 : f32 to vector<16xf32>
        %select_n3A_375 = arith.select %eq3A_328, %broadcast_in_dim3A_374, %scan3A_85 : vector<16xi1>, vector<16xf32>
        %select_n3A_376 = arith.select %eq3A_372, %select_n3A_375, %scan3A_85 : vector<16xf32>
        %eq3A_377 = arith.constant 8 : i32
        %eq3A_378 = arith.cmpi eq, %select_n3A_323, %eq3A_377 : i32
        %jit3A_379 = arith.constant 0x7F800000 : f32
        %broadcast_in_dim3A_380 = vector.broadcast %jit3A_379 : f32 to vector<16xf32>
        %select_n3A_381 = arith.select %eq3A_328, %broadcast_in_dim3A_380, %scan3A_86 : vector<16xi1>, vector<16xf32>
        %select_n3A_382 = arith.select %eq3A_378, %select_n3A_381, %scan3A_86 : vector<16xf32>
        %eq3A_383 = arith.constant 9 : i32
        %eq3A_384 = arith.cmpi eq, %select_n3A_323, %eq3A_383 : i32
        %jit3A_385 = arith.constant 0x7F800000 : f32
        %broadcast_in_dim3A_386 = vector.broadcast %jit3A_385 : f32 to vector<16xf32>
        %select_n3A_387 = arith.select %eq3A_328, %broadcast_in_dim3A_386, %scan3A_87 : vector<16xi1>, vector<16xf32>
        %select_n3A_388 = arith.select %eq3A_384, %select_n3A_387, %scan3A_87 : vector<16xf32>
        %eq3A_389 = arith.constant 10 : i32
        %eq3A_390 = arith.cmpi eq, %select_n3A_323, %eq3A_389 : i32
        %jit3A_391 = arith.constant 0x7F800000 : f32
        %broadcast_in_dim3A_392 = vector.broadcast %jit3A_391 : f32 to vector<16xf32>
        %select_n3A_393 = arith.select %eq3A_328, %broadcast_in_dim3A_392, %scan3A_88 : vector<16xi1>, vector<16xf32>
        %select_n3A_394 = arith.select %eq3A_390, %select_n3A_393, %scan3A_88 : vector<16xf32>
        %eq3A_395 = arith.constant 11 : i32
        %eq3A_396 = arith.cmpi eq, %select_n3A_323, %eq3A_395 : i32
        %jit3A_397 = arith.constant 0x7F800000 : f32
        %broadcast_in_dim3A_398 = vector.broadcast %jit3A_397 : f32 to vector<16xf32>
        %select_n3A_399 = arith.select %eq3A_328, %broadcast_in_dim3A_398, %scan3A_89 : vector<16xi1>, vector<16xf32>
        %select_n3A_400 = arith.select %eq3A_396, %select_n3A_399, %scan3A_89 : vector<16xf32>
        %eq3A_401 = arith.constant 12 : i32
        %eq3A_402 = arith.cmpi eq, %select_n3A_323, %eq3A_401 : i32
        %jit3A_403 = arith.constant 0x7F800000 : f32
        %broadcast_in_dim3A_404 = vector.broadcast %jit3A_403 : f32 to vector<16xf32>
        %select_n3A_405 = arith.select %eq3A_328, %broadcast_in_dim3A_404, %scan3A_90 : vector<16xi1>, vector<16xf32>
        %select_n3A_406 = arith.select %eq3A_402, %select_n3A_405, %scan3A_90 : vector<16xf32>
        %eq3A_407 = arith.constant 13 : i32
        %eq3A_408 = arith.cmpi eq, %select_n3A_323, %eq3A_407 : i32
        %jit3A_409 = arith.constant 0x7F800000 : f32
        %broadcast_in_dim3A_410 = vector.broadcast %jit3A_409 : f32 to vector<16xf32>
        %select_n3A_411 = arith.select %eq3A_328, %broadcast_in_dim3A_410, %scan3A_91 : vector<16xi1>, vector<16xf32>
        %select_n3A_412 = arith.select %eq3A_408, %select_n3A_411, %scan3A_91 : vector<16xf32>
        %eq3A_413 = arith.constant 14 : i32
        %eq3A_414 = arith.cmpi eq, %select_n3A_323, %eq3A_413 : i32
        %jit3A_415 = arith.constant 0x7F800000 : f32
        %broadcast_in_dim3A_416 = vector.broadcast %jit3A_415 : f32 to vector<16xf32>
        %select_n3A_417 = arith.select %eq3A_328, %broadcast_in_dim3A_416, %scan3A_92 : vector<16xi1>, vector<16xf32>
        %select_n3A_418 = arith.select %eq3A_414, %select_n3A_417, %scan3A_92 : vector<16xf32>
        %eq3A_419 = arith.constant 15 : i32
        %eq3A_420 = arith.cmpi eq, %select_n3A_323, %eq3A_419 : i32
        %jit3A_421 = arith.constant 0x7F800000 : f32
        %broadcast_in_dim3A_422 = vector.broadcast %jit3A_421 : f32 to vector<16xf32>
        %select_n3A_423 = arith.select %eq3A_328, %broadcast_in_dim3A_422, %scan3A_93 : vector<16xi1>, vector<16xf32>
        %select_n3A_424 = arith.select %eq3A_420, %select_n3A_423, %scan3A_93 : vector<16xf32>
        %eq3A_425 = arith.constant 16 : i32
        %eq3A_426 = arith.cmpi eq, %select_n3A_323, %eq3A_425 : i32
        %jit3A_427 = arith.constant 0x7F800000 : f32
        %broadcast_in_dim3A_428 = vector.broadcast %jit3A_427 : f32 to vector<16xf32>
        %select_n3A_429 = arith.select %eq3A_328, %broadcast_in_dim3A_428, %scan3A_94 : vector<16xi1>, vector<16xf32>
        %select_n3A_430 = arith.select %eq3A_426, %select_n3A_429, %scan3A_94 : vector<16xf32>
        %eq3A_431 = arith.constant 17 : i32
        %eq3A_432 = arith.cmpi eq, %select_n3A_323, %eq3A_431 : i32
        %jit3A_433 = arith.constant 0x7F800000 : f32
        %broadcast_in_dim3A_434 = vector.broadcast %jit3A_433 : f32 to vector<16xf32>
        %select_n3A_435 = arith.select %eq3A_328, %broadcast_in_dim3A_434, %scan3A_95 : vector<16xi1>, vector<16xf32>
        %select_n3A_436 = arith.select %eq3A_432, %select_n3A_435, %scan3A_95 : vector<16xf32>
        %eq3A_437 = arith.constant 18 : i32
        %eq3A_438 = arith.cmpi eq, %select_n3A_323, %eq3A_437 : i32
        %jit3A_439 = arith.constant 0x7F800000 : f32
        %broadcast_in_dim3A_440 = vector.broadcast %jit3A_439 : f32 to vector<16xf32>
        %select_n3A_441 = arith.select %eq3A_328, %broadcast_in_dim3A_440, %scan3A_96 : vector<16xi1>, vector<16xf32>
        %select_n3A_442 = arith.select %eq3A_438, %select_n3A_441, %scan3A_96 : vector<16xf32>
        %mul3A_443 = arith.constant 16 : i32
        %mul3A_444 = arith.muli %mul3A_443, %select_n3A_323 : i32
        %get3A_445 = arith.index_cast %scan3A_75 : i32 to index
        %get3A_446 = arith.index_cast %mul3A_444 : i32 to index
        %get3A_447 = tpu.vector_load %arg6[%get3A_445, %get3A_446] {strides = array<i32>} : memref<51x304xf32, #tpu.memory_space<vmem>>, vector<16xf32>,
        %mul3A_448 = arith.constant 16 : i32
        %mul3A_449 = arith.muli %mul3A_448, %select_n3A_323 : i32
        %get3A_450 = arith.constant 50 : i32
        %get3A_451 = arith.index_cast %get3A_450 : i32 to index
        %get3A_452 = arith.index_cast %mul3A_449 : i32 to index
        %get3A_453 = tpu.vector_load %arg6[%get3A_451, %get3A_452] {strides = array<i32>} : memref<51x304xf32, #tpu.memory_space<vmem>>, vector<16xf32>,
        %exp3A = math.exp %get3A_447 : vector<16xf32>
        %add3A_454 = vector.broadcast %reduce_min3A_292 : f32 to vector<16xf32>
        %add3A_455 = arith.addf %add3A_454, %exp3A : vector<16xf32>
        %mul3A_456 = arith.constant 2.000000e-01 : f32
        %mul3A_457 = vector.broadcast %mul3A_456 : f32 to vector<16xf32>
        %mul3A_458 = arith.mulf %add3A_455, %mul3A_457 : vector<16xf32>
        %jit3A_459 = arith.constant 0.000000e+00 : f32
        %broadcast_in_dim3A_460 = vector.broadcast %jit3A_459 : f32 to vector<16xf32>
        %select_n3A_461 = arith.select %eq3A_328, %mul3A_458, %broadcast_in_dim3A_460 : vector<16xi1>, vector<16xf32>
        %add3A_462 = arith.addf %scan3A_76, %select_n3A_461 : vector<16xf32>
        %sub3A_463 = arith.subf %get3A_453, %get3A_447 : vector<16xf32>
        %jit3A_464 = arith.constant 0.000000e+00 : f32
        %broadcast_in_dim3A_465 = vector.broadcast %jit3A_464 : f32 to vector<16xf32>
        %select_n3A_466 = arith.select %eq3A_328, %sub3A_463, %broadcast_in_dim3A_465 : vector<16xi1>, vector<16xf32>
        %add3A_467 = arith.addf %scan3A_77, %select_n3A_466 : vector<16xf32>
        scf.yield %add3A_462, %add3A_467, %select_n3A_334, %select_n3A_340, %select_n3A_346, %select_n3A_352, %select_n3A_358, %select_n3A_364, %select_n3A_370, %select_n3A_376, %select_n3A_382, %select_n3A_388, %select_n3A_394, %select_n3A_400, %select_n3A_406, %select_n3A_412, %select_n3A_418, %select_n3A_424, %select_n3A_430, %select_n3A_436, %select_n3A_442 : vector<16xf32>, vector<16xf32>, vector<16xf32>, vector<16xf32>, vector<16xf32>, vector<16xf32>, vector<16xf32>, vector<16xf32>, vector<16xf32>, vector<16xf32>, vector<16xf32>, vector<16xf32>, vector<16xf32>, vector<16xf32>, vector<16xf32>, vector<16xf32>, vector<16xf32>, vector<16xf32>, vector<16xf32>, vector<16xf32>, vector<16xf32>
      }
      %scan3A_41 = arith.constant 50 : i32
      %get3A = arith.constant 50 : i32
      %get3A_42 = arith.index_cast %get3A : i32 to index
      %get3A_43 = arith.constant 288 : index
      %get3A_44 = tpu.vector_load %arg6[%get3A_42, %get3A_43] {strides = array<i32>} : memref<51x304xf32, #tpu.memory_space<vmem>>, vector<16xf32>,
      %eq3A_45 = arith.constant 15 : i32
      %eq3A_46 = vector.broadcast %eq3A_45 : i32 to vector<16xi32>
      %eq3A_47 = arith.cmpi eq, %iota3A, %eq3A_46 : vector<16xi32>
      %jit3A = arith.constant 0.000000e+00 : f32
      %broadcast_in_dim3A_48 = vector.broadcast %jit3A : f32 to vector<16xf32>
      %select_n3A = arith.select %eq3A_47, %get3A_44, %broadcast_in_dim3A_48 : vector<16xi1>, vector<16xf32>
      %add3A = arith.addf %scan3A_40#1, %select_n3A : vector<16xf32>
      %reduce_sum3A = arith.constant true
      %reduce_sum3A_49 = vector.broadcast %reduce_sum3A : i1 to vector<16xi1>
      %reduce_sum3A_50 = tpu.scan <sum>, %add3A masked %reduce_sum3A_49 : vector<16xf32>, vector<16xi1> -> vector<16xf32>
      %reduce_sum3A_51 = vector.extract %reduce_sum3A_50[15] : f32 from vector<16xf32>
      %reduce_sum3A_52 = arith.constant true
      %reduce_sum3A_53 = vector.broadcast %reduce_sum3A_52 : i1 to vector<16xi1>
      %reduce_sum3A_54 = tpu.scan <sum>, %scan3A_40#0 masked %reduce_sum3A_53 : vector<16xf32>, vector<16xi1> -> vector<16xf32>
      %reduce_sum3A_55 = vector.extract %reduce_sum3A_54[15] : f32 from vector<16xf32>
      %eq3A_56 = arith.constant 0 : i32
      %eq3A_57 = vector.broadcast %eq3A_56 : i32 to vector<16xi32>
      %eq3A_58 = arith.cmpi eq, %iota3A, %eq3A_57 : vector<16xi32>
      %eq3A_59 = arith.constant 1 : i32
      %eq3A_60 = vector.broadcast %eq3A_59 : i32 to vector<16xi32>
      %eq3A_61 = arith.cmpi eq, %iota3A, %eq3A_60 : vector<16xi32>
      %jit3A_62 = arith.constant 0.000000e+00 : f32
      %broadcast_in_dim3A_63 = vector.broadcast %reduce_sum3A_55 : f32 to vector<16xf32>
      %broadcast_in_dim3A_64 = vector.broadcast %jit3A_62 : f32 to vector<16xf32>
      %select_n3A_65 = arith.select %eq3A_61, %broadcast_in_dim3A_63, %broadcast_in_dim3A_64 : vector<16xi1>, vector<16xf32>
      %broadcast_in_dim3A_66 = vector.broadcast %reduce_sum3A_51 : f32 to vector<16xf32>
      %select_n3A_67 = arith.select %eq3A_58, %broadcast_in_dim3A_66, %select_n3A_65 : vector<16xi1>, vector<16xf32>
      %swap3A = arith.constant 0 : index
      %swap3A_68 = tpu.vector_load %arg8[%swap3A] {strides = array<i32>} : memref<16xf32, #tpu.memory_space<vmem>>, vector<16xf32>,
      tpu.vector_store %arg8[%swap3A], %select_n3A_67 {strides = array<i32>} : memref<16xf32, #tpu.memory_space<vmem>>, vector<16xf32>,
      %mul3A = arith.constant 16 : i32
      %mul3A_69 = arith.muli %arg1, %mul3A : i32
      "tpu.region"() ({
        %run_scoped3A = tpu.sem_alloc : memref<!tpu.dma_semaphore, #tpu.memory_space<semaphore_mem>>
        %dma_start3A_75 = tpu.memref_slice %arg3[%mul3A_69] : memref<256xf32, #tpu.memory_space<hbm>> -> memref<16xf32, #tpu.memory_space<hbm>>
        %dma_start3A_76 = tpu.memref_slice %arg3[%mul3A_69] : memref<256xf32, #tpu.memory_space<hbm>> -> memref<16xf32, #tpu.memory_space<hbm>>
        tpu.enqueue_dma source(%arg8 : memref<16xf32, #tpu.memory_space<vmem>>) target(%dma_start3A_76 : memref<16xf32, #tpu.memory_space<hbm>>) target_semaphore(%run_scoped3A : memref<!tpu.dma_semaphore, #tpu.memory_space<semaphore_mem>>)
        %dma_wait3A_77 = tpu.memref_slice %arg3[%mul3A_69] : memref<256xf32, #tpu.memory_space<hbm>> -> memref<16xf32, #tpu.memory_space<hbm>>
        %dma_wait3A_78 = tpu.memref_slice %arg3[%mul3A_69] : memref<256xf32, #tpu.memory_space<hbm>> -> memref<16xf32, #tpu.memory_space<hbm>>
        tpu.wait_dma2 semaphore(%run_scoped3A : memref<!tpu.dma_semaphore, #tpu.memory_space<semaphore_mem>>) src(%arg8 : memref<16xf32, #tpu.memory_space<vmem>>) dst(%dma_wait3A_78 : memref<16xf32, #tpu.memory_space<hbm>>)
        tpu.yield
      }) : () -> ()
      %barrier3A = arith.constant 0 : index
      tpu.barrier barrier_id(%barrier3A)
      %eq3A_70 = arith.constant 0 : i32
      %eq3A_71 = arith.cmpi eq, %arg1, %eq3A_70 : i32
      %convert_element_type3A_72 = arith.extui %eq3A_71 : i1 to i32
      %cond3A_73 = arith.constant 0 : i32
      %cond3A_74 = arith.cmpi ne, %convert_element_type3A_72, %cond3A_73 : i32
      scf.if %cond3A_74 {
        "tpu.region"() ({
          %run_scoped3A = tpu.sem_alloc : memref<!tpu.dma_semaphore, #tpu.memory_space<semaphore_mem>>
          tpu.enqueue_dma source(%arg3 : memref<256xf32, #tpu.memory_space<hbm>>) target(%arg7 : memref<256xf32, #tpu.memory_space<vmem>>) target_semaphore(%run_scoped3A : memref<!tpu.dma_semaphore, #tpu.memory_space<semaphore_mem>>)
          tpu.wait_dma2 semaphore(%run_scoped3A : memref<!tpu.dma_semaphore, #tpu.memory_space<semaphore_mem>>) src(%arg3 : memref<256xf32, #tpu.memory_space<hbm>>) dst(%arg7 : memref<256xf32, #tpu.memory_space<vmem>>)
          tpu.yield
        }) : () -> ()
        %broadcast_in_dim3A_75 = arith.constant 0.000000e+00 : f32
        %broadcast_in_dim3A_76 = vector.broadcast %broadcast_in_dim3A_75 : f32 to vector<16xf32>
        %get3A_77 = arith.constant 0 : index
        %get3A_78 = tpu.vector_load %arg7[%get3A_77] {strides = array<i32>} : memref<256xf32, #tpu.memory_space<vmem>>, vector<16xf32>,
        %add3A_79 = arith.addf %broadcast_in_dim3A_76, %get3A_78 : vector<16xf32>
        %get3A_80 = arith.constant 16 : index
        %get3A_81 = tpu.vector_load %arg7[%get3A_80] {strides = array<i32>} : memref<256xf32, #tpu.memory_space<vmem>>, vector<16xf32>,
        %add3A_82 = arith.addf %add3A_79, %get3A_81 : vector<16xf32>
        %get3A_83 = arith.constant 32 : index
        %get3A_84 = tpu.vector_load %arg7[%get3A_83] {strides = array<i32>} : memref<256xf32, #tpu.memory_space<vmem>>, vector<16xf32>,
        %add3A_85 = arith.addf %add3A_82, %get3A_84 : vector<16xf32>
        %get3A_86 = arith.constant 48 : index
        %get3A_87 = tpu.vector_load %arg7[%get3A_86] {strides = array<i32>} : memref<256xf32, #tpu.memory_space<vmem>>, vector<16xf32>,
        %add3A_88 = arith.addf %add3A_85, %get3A_87 : vector<16xf32>
        %get3A_89 = arith.constant 64 : index
        %get3A_90 = tpu.vector_load %arg7[%get3A_89] {strides = array<i32>} : memref<256xf32, #tpu.memory_space<vmem>>, vector<16xf32>,
        %add3A_91 = arith.addf %add3A_88, %get3A_90 : vector<16xf32>
        %get3A_92 = arith.constant 80 : index
        %get3A_93 = tpu.vector_load %arg7[%get3A_92] {strides = array<i32>} : memref<256xf32, #tpu.memory_space<vmem>>, vector<16xf32>,
        %add3A_94 = arith.addf %add3A_91, %get3A_93 : vector<16xf32>
        %get3A_95 = arith.constant 96 : index
        %get3A_96 = tpu.vector_load %arg7[%get3A_95] {strides = array<i32>} : memref<256xf32, #tpu.memory_space<vmem>>, vector<16xf32>,
        %add3A_97 = arith.addf %add3A_94, %get3A_96 : vector<16xf32>
        %get3A_98 = arith.constant 112 : index
        %get3A_99 = tpu.vector_load %arg7[%get3A_98] {strides = array<i32>} : memref<256xf32, #tpu.memory_space<vmem>>, vector<16xf32>,
        %add3A_100 = arith.addf %add3A_97, %get3A_99 : vector<16xf32>
        %get3A_101 = arith.constant 128 : index
        %get3A_102 = tpu.vector_load %arg7[%get3A_101] {strides = array<i32>} : memref<256xf32, #tpu.memory_space<vmem>>, vector<16xf32>,
        %add3A_103 = arith.addf %add3A_100, %get3A_102 : vector<16xf32>
        %get3A_104 = arith.constant 144 : index
        %get3A_105 = tpu.vector_load %arg7[%get3A_104] {strides = array<i32>} : memref<256xf32, #tpu.memory_space<vmem>>, vector<16xf32>,
        %add3A_106 = arith.addf %add3A_103, %get3A_105 : vector<16xf32>
        %get3A_107 = arith.constant 160 : index
        %get3A_108 = tpu.vector_load %arg7[%get3A_107] {strides = array<i32>} : memref<256xf32, #tpu.memory_space<vmem>>, vector<16xf32>,
        %add3A_109 = arith.addf %add3A_106, %get3A_108 : vector<16xf32>
        %get3A_110 = arith.constant 176 : index
        %get3A_111 = tpu.vector_load %arg7[%get3A_110] {strides = array<i32>} : memref<256xf32, #tpu.memory_space<vmem>>, vector<16xf32>,
        %add3A_112 = arith.addf %add3A_109, %get3A_111 : vector<16xf32>
        %get3A_113 = arith.constant 192 : index
        %get3A_114 = tpu.vector_load %arg7[%get3A_113] {strides = array<i32>} : memref<256xf32, #tpu.memory_space<vmem>>, vector<16xf32>,
        %add3A_115 = arith.addf %add3A_112, %get3A_114 : vector<16xf32>
        %get3A_116 = arith.constant 208 : index
        %get3A_117 = tpu.vector_load %arg7[%get3A_116] {strides = array<i32>} : memref<256xf32, #tpu.memory_space<vmem>>, vector<16xf32>,
        %add3A_118 = arith.addf %add3A_115, %get3A_117 : vector<16xf32>
        %get3A_119 = arith.constant 224 : index
        %get3A_120 = tpu.vector_load %arg7[%get3A_119] {strides = array<i32>} : memref<256xf32, #tpu.memory_space<vmem>>, vector<16xf32>,
        %add3A_121 = arith.addf %add3A_118, %get3A_120 : vector<16xf32>
        %get3A_122 = arith.constant 240 : index
        %get3A_123 = tpu.vector_load %arg7[%get3A_122] {strides = array<i32>} : memref<256xf32, #tpu.memory_space<vmem>>, vector<16xf32>,
        %add3A_124 = arith.addf %add3A_121, %get3A_123 : vector<16xf32>
        %eq3A_125 = arith.constant 0 : i32
        %eq3A_126 = vector.broadcast %eq3A_125 : i32 to vector<16xi32>
        %eq3A_127 = arith.cmpi eq, %iota3A, %eq3A_126 : vector<16xi32>
        %eq3A_128 = arith.constant 1 : i32
        %eq3A_129 = vector.broadcast %eq3A_128 : i32 to vector<16xi32>
        %eq3A_130 = arith.cmpi eq, %iota3A, %eq3A_129 : vector<16xi32>
        %jit3A_131 = arith.constant 1.250000e-03 : f32
        %jit3A_132 = arith.constant 0.000000e+00 : f32
        %broadcast_in_dim3A_133 = vector.broadcast %jit3A_131 : f32 to vector<16xf32>
        %broadcast_in_dim3A_134 = vector.broadcast %jit3A_132 : f32 to vector<16xf32>
        %select_n3A_135 = arith.select %eq3A_130, %broadcast_in_dim3A_133, %broadcast_in_dim3A_134 : vector<16xi1>, vector<16xf32>
        %jit3A_136 = arith.constant 2.08333338E-4 : f32
        %broadcast_in_dim3A_137 = vector.broadcast %jit3A_136 : f32 to vector<16xf32>
        %select_n3A_138 = arith.select %eq3A_127, %broadcast_in_dim3A_137, %select_n3A_135 : vector<16xi1>, vector<16xf32>
        %mul3A_139 = arith.mulf %add3A_124, %select_n3A_138 : vector<16xf32>
        %swap3A_140 = arith.constant 0 : index
        %swap3A_141 = tpu.vector_load %arg8[%swap3A_140] {strides = array<i32>} : memref<16xf32, #tpu.memory_space<vmem>>, vector<16xf32>,
        tpu.vector_store %arg8[%swap3A_140], %mul3A_139 {strides = array<i32>} : memref<16xf32, #tpu.memory_space<vmem>>, vector<16xf32>,
        "tpu.region"() ({
          %run_scoped3A = tpu.sem_alloc : memref<!tpu.dma_semaphore, #tpu.memory_space<semaphore_mem>>
          %dma_start3A_142 = arith.constant 0 : i32
          %dma_start3A_143 = tpu.memref_slice %arg8[%dma_start3A_142] : memref<16xf32, #tpu.memory_space<vmem>> -> memref<2xf32, #tpu.memory_space<vmem>>
          %dma_start3A_144 = arith.constant 0 : i32
          %dma_start3A_145 = tpu.memref_slice %arg8[%dma_start3A_144] : memref<16xf32, #tpu.memory_space<vmem>> -> memref<2xf32, #tpu.memory_space<vmem>>
          tpu.enqueue_dma source(%dma_start3A_145 : memref<2xf32, #tpu.memory_space<vmem>>) target(%arg4 : memref<2xf32, #tpu.memory_space<hbm>>) target_semaphore(%run_scoped3A : memref<!tpu.dma_semaphore, #tpu.memory_space<semaphore_mem>>)
          %dma_wait3A_146 = arith.constant 0 : i32
          %dma_wait3A_147 = tpu.memref_slice %arg8[%dma_wait3A_146] : memref<16xf32, #tpu.memory_space<vmem>> -> memref<2xf32, #tpu.memory_space<vmem>>
          %dma_wait3A_148 = arith.constant 0 : i32
          %dma_wait3A_149 = tpu.memref_slice %arg8[%dma_wait3A_148] : memref<16xf32, #tpu.memory_space<vmem>> -> memref<2xf32, #tpu.memory_space<vmem>>
          tpu.wait_dma2 semaphore(%run_scoped3A : memref<!tpu.dma_semaphore, #tpu.memory_space<semaphore_mem>>) src(%dma_wait3A_149 : memref<2xf32, #tpu.memory_space<vmem>>) dst(%arg4 : memref<2xf32, #tpu.memory_space<hbm>>)
          tpu.yield
        }) : () -> ()
      } else {
      }
    } else {
    }
    return
  }
}

module attributes {stable_mosaic.version = 14 : i64} {
  func.func @_dense_body(%arg0: memref<16x300x51xf32, #tpu.memory_space<vmem>>, %arg1: memref<16x300x40xf32, #tpu.memory_space<vmem>>, %arg2: memref<16x50xi32, #tpu.memory_space<vmem>>, %arg3: memref<16x50x40xf32, #tpu.memory_space<vmem>>, %arg4: memref<2x16x51x304xf32, #tpu.memory_space<vmem>>, %arg5: memref<16x52x300xf32, #tpu.memory_space<vmem>>, %arg6: memref<16x40x300xf32, #tpu.memory_space<vmem>>) attributes {dimension_semantics = [], scalar_prefetch = 0 : i64, scratch_operands = 2 : i64, tpu.core_type = #tpu.core_type<tc>} {
    %get3A = arith.constant 0 : index
    %get3A_0 = arith.constant 0 : index
    %get3A_1 = arith.constant 0 : index
    %get3A_2 = vector.load %arg0[%get3A, %get3A_0, %get3A_1] : memref<16x300x51xf32, #tpu.memory_space<vmem>>, vector<16x300x51xf32>
    %reduce_max3A = arith.constant dense<0xFF800000> : vector<16x300xf32>
    %reduce_max3A_3 = vector.multi_reduction <maximumf>, %get3A_2, %reduce_max3A [2] : vector<16x300x51xf32> to vector<16x300xf32>
    %broadcast_in_dim3A = vector.shape_cast %reduce_max3A_3 : vector<16x300xf32> to vector<16x300x1xf32>
    %sub3A = vector.broadcast %broadcast_in_dim3A : vector<16x300x1xf32> to vector<16x300x51xf32>
    %sub3A_4 = arith.subf %get3A_2, %sub3A : vector<16x300x51xf32>
    %exp3A = math.exp %sub3A_4 : vector<16x300x51xf32>
    %get3A_5 = arith.constant 0 : index
    %get3A_6 = arith.constant 0 : index
    %get3A_7 = vector.load %arg2[%get3A_5, %get3A_6] : memref<16x50xi32, #tpu.memory_space<vmem>>, vector<16x50xi32>
    %iota3A = tpu.iota {dimensions = array<i32: 2>} : vector<16x52x51xi32>
    %iota3A_8 = tpu.iota {dimensions = array<i32: 1>} : vector<16x52x51xi32>
    %jit3A = arith.constant 0 : i32
    %pad3A = vector.broadcast %jit3A : i32 to vector<16x2xi32>
    %pad3A_9 = tpu.concatenate %get3A_7, %pad3A in 1 : vector<16x50xi32>, vector<16x2xi32> -> vector<16x52xi32>
    %broadcast_in_dim3A_10 = vector.shape_cast %pad3A_9 : vector<16x52xi32> to vector<16x52x1xi32>
    %eq3A = vector.broadcast %broadcast_in_dim3A_10 : vector<16x52x1xi32> to vector<16x52x51xi32>
    %eq3A_11 = arith.cmpi eq, %iota3A, %eq3A : vector<16x52x51xi32>
    %convert_element_type3A = arith.extui %eq3A_11 : vector<16x52x51xi1> to vector<16x52x51xi32>
    %convert_element_type3A_12 = arith.sitofp %convert_element_type3A : vector<16x52x51xi32> to vector<16x52x51xf32>
    %eq3A_13 = arith.constant 50 : i32
    %eq3A_14 = vector.broadcast %eq3A_13 : i32 to vector<16x52x51xi32>
    %eq3A_15 = arith.cmpi eq, %iota3A, %eq3A_14 : vector<16x52x51xi32>
    %convert_element_type3A_16 = arith.extui %eq3A_15 : vector<16x52x51xi1> to vector<16x52x51xi32>
    %convert_element_type3A_17 = arith.sitofp %convert_element_type3A_16 : vector<16x52x51xi32> to vector<16x52x51xf32>
    %lt3A = arith.constant 50 : i32
    %lt3A_18 = vector.broadcast %lt3A : i32 to vector<16x52x51xi32>
    %lt3A_19 = arith.cmpi slt, %iota3A_8, %lt3A_18 : vector<16x52x51xi32>
    %eq3A_20 = arith.constant 50 : i32
    %eq3A_21 = vector.broadcast %eq3A_20 : i32 to vector<16x52x51xi32>
    %eq3A_22 = arith.cmpi eq, %iota3A_8, %eq3A_21 : vector<16x52x51xi32>
    %jit3A_23 = arith.constant 1.000000e+00 : f32
    %broadcast_in_dim3A_24 = vector.broadcast %jit3A_23 : f32 to vector<16x52x51xf32>
    %select_n3A = arith.select %eq3A_22, %broadcast_in_dim3A_24, %convert_element_type3A_17 : vector<16x52x51xi1>, vector<16x52x51xf32>
    %select_n3A_25 = arith.select %lt3A_19, %convert_element_type3A_12, %select_n3A : vector<16x52x51xi1>, vector<16x52x51xf32>
    %slice3A = vector.extract_strided_slice %select_n3A_25 {offsets = [0, 0, 0], sizes = [1, 52, 51], strides = [1, 1, 1]} : vector<16x52x51xf32> to vector<1x52x51xf32>
    %squeeze3A = vector.shape_cast %slice3A : vector<1x52x51xf32> to vector<52x51xf32>
    %slice3A_26 = vector.extract_strided_slice %exp3A {offsets = [0, 0, 0], sizes = [1, 300, 51], strides = [1, 1, 1]} : vector<16x300x51xf32> to vector<1x300x51xf32>
    %squeeze3A_27 = vector.shape_cast %slice3A_26 : vector<1x300x51xf32> to vector<300x51xf32>
    %dot_general3A = arith.constant dense<0.000000e+00> : vector<52x300xf32>
    %dot_general3A_28 = tpu.matmul %squeeze3A, %squeeze3A_27, %dot_general3A {dimension_numbers = #tpu.dot_dimension_numbers<[1], [1], [0], [0], [0, 0, 1, 0], [], []>, transpose_lhs_hint = false} : vector<52x51xf32>, vector<300x51xf32>, vector<52x300xf32> -> vector<52x300xf32>
    %swap3A = arith.constant 0 : index
    %swap3A_29 = arith.constant 0 : index
    %swap3A_30 = arith.constant 0 : index
    %swap3A_31 = vector.load %arg5[%swap3A, %swap3A_29, %swap3A_30] : memref<16x52x300xf32, #tpu.memory_space<vmem>>, vector<1x52x300xf32>
    %swap3A_32 = vector.shape_cast %swap3A_31 : vector<1x52x300xf32> to vector<52x300xf32>
    %swap3A_33 = vector.shape_cast %dot_general3A_28 : vector<52x300xf32> to vector<1x52x300xf32>
    tpu.vector_store %arg5[%swap3A, %swap3A_29, %swap3A_30], %swap3A_33 {strides = array<i32>} : memref<16x52x300xf32, #tpu.memory_space<vmem>>, vector<1x52x300xf32>,
    %slice3A_34 = vector.extract_strided_slice %select_n3A_25 {offsets = [1, 0, 0], sizes = [1, 52, 51], strides = [1, 1, 1]} : vector<16x52x51xf32> to vector<1x52x51xf32>
    %squeeze3A_35 = vector.shape_cast %slice3A_34 : vector<1x52x51xf32> to vector<52x51xf32>
    %slice3A_36 = vector.extract_strided_slice %exp3A {offsets = [1, 0, 0], sizes = [1, 300, 51], strides = [1, 1, 1]} : vector<16x300x51xf32> to vector<1x300x51xf32>
    %squeeze3A_37 = vector.shape_cast %slice3A_36 : vector<1x300x51xf32> to vector<300x51xf32>
    %dot_general3A_38 = arith.constant dense<0.000000e+00> : vector<52x300xf32>
    %dot_general3A_39 = tpu.matmul %squeeze3A_35, %squeeze3A_37, %dot_general3A_38 {dimension_numbers = #tpu.dot_dimension_numbers<[1], [1], [0], [0], [0, 0, 1, 0], [], []>, transpose_lhs_hint = false} : vector<52x51xf32>, vector<300x51xf32>, vector<52x300xf32> -> vector<52x300xf32>
    %swap3A_40 = arith.constant 1 : index
    %swap3A_41 = arith.constant 0 : index
    %swap3A_42 = arith.constant 0 : index
    %swap3A_43 = vector.load %arg5[%swap3A_40, %swap3A_41, %swap3A_42] : memref<16x52x300xf32, #tpu.memory_space<vmem>>, vector<1x52x300xf32>
    %swap3A_44 = vector.shape_cast %swap3A_43 : vector<1x52x300xf32> to vector<52x300xf32>
    %swap3A_45 = vector.shape_cast %dot_general3A_39 : vector<52x300xf32> to vector<1x52x300xf32>
    tpu.vector_store %arg5[%swap3A_40, %swap3A_41, %swap3A_42], %swap3A_45 {strides = array<i32>} : memref<16x52x300xf32, #tpu.memory_space<vmem>>, vector<1x52x300xf32>,
    %slice3A_46 = vector.extract_strided_slice %select_n3A_25 {offsets = [2, 0, 0], sizes = [1, 52, 51], strides = [1, 1, 1]} : vector<16x52x51xf32> to vector<1x52x51xf32>
    %squeeze3A_47 = vector.shape_cast %slice3A_46 : vector<1x52x51xf32> to vector<52x51xf32>
    %slice3A_48 = vector.extract_strided_slice %exp3A {offsets = [2, 0, 0], sizes = [1, 300, 51], strides = [1, 1, 1]} : vector<16x300x51xf32> to vector<1x300x51xf32>
    %squeeze3A_49 = vector.shape_cast %slice3A_48 : vector<1x300x51xf32> to vector<300x51xf32>
    %dot_general3A_50 = arith.constant dense<0.000000e+00> : vector<52x300xf32>
    %dot_general3A_51 = tpu.matmul %squeeze3A_47, %squeeze3A_49, %dot_general3A_50 {dimension_numbers = #tpu.dot_dimension_numbers<[1], [1], [0], [0], [0, 0, 1, 0], [], []>, transpose_lhs_hint = false} : vector<52x51xf32>, vector<300x51xf32>, vector<52x300xf32> -> vector<52x300xf32>
    %swap3A_52 = arith.constant 2 : index
    %swap3A_53 = arith.constant 0 : index
    %swap3A_54 = arith.constant 0 : index
    %swap3A_55 = vector.load %arg5[%swap3A_52, %swap3A_53, %swap3A_54] : memref<16x52x300xf32, #tpu.memory_space<vmem>>, vector<1x52x300xf32>
    %swap3A_56 = vector.shape_cast %swap3A_55 : vector<1x52x300xf32> to vector<52x300xf32>
    %swap3A_57 = vector.shape_cast %dot_general3A_51 : vector<52x300xf32> to vector<1x52x300xf32>
    tpu.vector_store %arg5[%swap3A_52, %swap3A_53, %swap3A_54], %swap3A_57 {strides = array<i32>} : memref<16x52x300xf32, #tpu.memory_space<vmem>>, vector<1x52x300xf32>,
    %slice3A_58 = vector.extract_strided_slice %select_n3A_25 {offsets = [3, 0, 0], sizes = [1, 52, 51], strides = [1, 1, 1]} : vector<16x52x51xf32> to vector<1x52x51xf32>
    %squeeze3A_59 = vector.shape_cast %slice3A_58 : vector<1x52x51xf32> to vector<52x51xf32>
    %slice3A_60 = vector.extract_strided_slice %exp3A {offsets = [3, 0, 0], sizes = [1, 300, 51], strides = [1, 1, 1]} : vector<16x300x51xf32> to vector<1x300x51xf32>
    %squeeze3A_61 = vector.shape_cast %slice3A_60 : vector<1x300x51xf32> to vector<300x51xf32>
    %dot_general3A_62 = arith.constant dense<0.000000e+00> : vector<52x300xf32>
    %dot_general3A_63 = tpu.matmul %squeeze3A_59, %squeeze3A_61, %dot_general3A_62 {dimension_numbers = #tpu.dot_dimension_numbers<[1], [1], [0], [0], [0, 0, 1, 0], [], []>, transpose_lhs_hint = false} : vector<52x51xf32>, vector<300x51xf32>, vector<52x300xf32> -> vector<52x300xf32>
    %swap3A_64 = arith.constant 3 : index
    %swap3A_65 = arith.constant 0 : index
    %swap3A_66 = arith.constant 0 : index
    %swap3A_67 = vector.load %arg5[%swap3A_64, %swap3A_65, %swap3A_66] : memref<16x52x300xf32, #tpu.memory_space<vmem>>, vector<1x52x300xf32>
    %swap3A_68 = vector.shape_cast %swap3A_67 : vector<1x52x300xf32> to vector<52x300xf32>
    %swap3A_69 = vector.shape_cast %dot_general3A_63 : vector<52x300xf32> to vector<1x52x300xf32>
    tpu.vector_store %arg5[%swap3A_64, %swap3A_65, %swap3A_66], %swap3A_69 {strides = array<i32>} : memref<16x52x300xf32, #tpu.memory_space<vmem>>, vector<1x52x300xf32>,
    %slice3A_70 = vector.extract_strided_slice %select_n3A_25 {offsets = [4, 0, 0], sizes = [1, 52, 51], strides = [1, 1, 1]} : vector<16x52x51xf32> to vector<1x52x51xf32>
    %squeeze3A_71 = vector.shape_cast %slice3A_70 : vector<1x52x51xf32> to vector<52x51xf32>
    %slice3A_72 = vector.extract_strided_slice %exp3A {offsets = [4, 0, 0], sizes = [1, 300, 51], strides = [1, 1, 1]} : vector<16x300x51xf32> to vector<1x300x51xf32>
    %squeeze3A_73 = vector.shape_cast %slice3A_72 : vector<1x300x51xf32> to vector<300x51xf32>
    %dot_general3A_74 = arith.constant dense<0.000000e+00> : vector<52x300xf32>
    %dot_general3A_75 = tpu.matmul %squeeze3A_71, %squeeze3A_73, %dot_general3A_74 {dimension_numbers = #tpu.dot_dimension_numbers<[1], [1], [0], [0], [0, 0, 1, 0], [], []>, transpose_lhs_hint = false} : vector<52x51xf32>, vector<300x51xf32>, vector<52x300xf32> -> vector<52x300xf32>
    %swap3A_76 = arith.constant 4 : index
    %swap3A_77 = arith.constant 0 : index
    %swap3A_78 = arith.constant 0 : index
    %swap3A_79 = vector.load %arg5[%swap3A_76, %swap3A_77, %swap3A_78] : memref<16x52x300xf32, #tpu.memory_space<vmem>>, vector<1x52x300xf32>
    %swap3A_80 = vector.shape_cast %swap3A_79 : vector<1x52x300xf32> to vector<52x300xf32>
    %swap3A_81 = vector.shape_cast %dot_general3A_75 : vector<52x300xf32> to vector<1x52x300xf32>
    tpu.vector_store %arg5[%swap3A_76, %swap3A_77, %swap3A_78], %swap3A_81 {strides = array<i32>} : memref<16x52x300xf32, #tpu.memory_space<vmem>>, vector<1x52x300xf32>,
    %slice3A_82 = vector.extract_strided_slice %select_n3A_25 {offsets = [5, 0, 0], sizes = [1, 52, 51], strides = [1, 1, 1]} : vector<16x52x51xf32> to vector<1x52x51xf32>
    %squeeze3A_83 = vector.shape_cast %slice3A_82 : vector<1x52x51xf32> to vector<52x51xf32>
    %slice3A_84 = vector.extract_strided_slice %exp3A {offsets = [5, 0, 0], sizes = [1, 300, 51], strides = [1, 1, 1]} : vector<16x300x51xf32> to vector<1x300x51xf32>
    %squeeze3A_85 = vector.shape_cast %slice3A_84 : vector<1x300x51xf32> to vector<300x51xf32>
    %dot_general3A_86 = arith.constant dense<0.000000e+00> : vector<52x300xf32>
    %dot_general3A_87 = tpu.matmul %squeeze3A_83, %squeeze3A_85, %dot_general3A_86 {dimension_numbers = #tpu.dot_dimension_numbers<[1], [1], [0], [0], [0, 0, 1, 0], [], []>, transpose_lhs_hint = false} : vector<52x51xf32>, vector<300x51xf32>, vector<52x300xf32> -> vector<52x300xf32>
    %swap3A_88 = arith.constant 5 : index
    %swap3A_89 = arith.constant 0 : index
    %swap3A_90 = arith.constant 0 : index
    %swap3A_91 = vector.load %arg5[%swap3A_88, %swap3A_89, %swap3A_90] : memref<16x52x300xf32, #tpu.memory_space<vmem>>, vector<1x52x300xf32>
    %swap3A_92 = vector.shape_cast %swap3A_91 : vector<1x52x300xf32> to vector<52x300xf32>
    %swap3A_93 = vector.shape_cast %dot_general3A_87 : vector<52x300xf32> to vector<1x52x300xf32>
    tpu.vector_store %arg5[%swap3A_88, %swap3A_89, %swap3A_90], %swap3A_93 {strides = array<i32>} : memref<16x52x300xf32, #tpu.memory_space<vmem>>, vector<1x52x300xf32>,
    %slice3A_94 = vector.extract_strided_slice %select_n3A_25 {offsets = [6, 0, 0], sizes = [1, 52, 51], strides = [1, 1, 1]} : vector<16x52x51xf32> to vector<1x52x51xf32>
    %squeeze3A_95 = vector.shape_cast %slice3A_94 : vector<1x52x51xf32> to vector<52x51xf32>
    %slice3A_96 = vector.extract_strided_slice %exp3A {offsets = [6, 0, 0], sizes = [1, 300, 51], strides = [1, 1, 1]} : vector<16x300x51xf32> to vector<1x300x51xf32>
    %squeeze3A_97 = vector.shape_cast %slice3A_96 : vector<1x300x51xf32> to vector<300x51xf32>
    %dot_general3A_98 = arith.constant dense<0.000000e+00> : vector<52x300xf32>
    %dot_general3A_99 = tpu.matmul %squeeze3A_95, %squeeze3A_97, %dot_general3A_98 {dimension_numbers = #tpu.dot_dimension_numbers<[1], [1], [0], [0], [0, 0, 1, 0], [], []>, transpose_lhs_hint = false} : vector<52x51xf32>, vector<300x51xf32>, vector<52x300xf32> -> vector<52x300xf32>
    %swap3A_100 = arith.constant 6 : index
    %swap3A_101 = arith.constant 0 : index
    %swap3A_102 = arith.constant 0 : index
    %swap3A_103 = vector.load %arg5[%swap3A_100, %swap3A_101, %swap3A_102] : memref<16x52x300xf32, #tpu.memory_space<vmem>>, vector<1x52x300xf32>
    %swap3A_104 = vector.shape_cast %swap3A_103 : vector<1x52x300xf32> to vector<52x300xf32>
    %swap3A_105 = vector.shape_cast %dot_general3A_99 : vector<52x300xf32> to vector<1x52x300xf32>
    tpu.vector_store %arg5[%swap3A_100, %swap3A_101, %swap3A_102], %swap3A_105 {strides = array<i32>} : memref<16x52x300xf32, #tpu.memory_space<vmem>>, vector<1x52x300xf32>,
    %slice3A_106 = vector.extract_strided_slice %select_n3A_25 {offsets = [7, 0, 0], sizes = [1, 52, 51], strides = [1, 1, 1]} : vector<16x52x51xf32> to vector<1x52x51xf32>
    %squeeze3A_107 = vector.shape_cast %slice3A_106 : vector<1x52x51xf32> to vector<52x51xf32>
    %slice3A_108 = vector.extract_strided_slice %exp3A {offsets = [7, 0, 0], sizes = [1, 300, 51], strides = [1, 1, 1]} : vector<16x300x51xf32> to vector<1x300x51xf32>
    %squeeze3A_109 = vector.shape_cast %slice3A_108 : vector<1x300x51xf32> to vector<300x51xf32>
    %dot_general3A_110 = arith.constant dense<0.000000e+00> : vector<52x300xf32>
    %dot_general3A_111 = tpu.matmul %squeeze3A_107, %squeeze3A_109, %dot_general3A_110 {dimension_numbers = #tpu.dot_dimension_numbers<[1], [1], [0], [0], [0, 0, 1, 0], [], []>, transpose_lhs_hint = false} : vector<52x51xf32>, vector<300x51xf32>, vector<52x300xf32> -> vector<52x300xf32>
    %swap3A_112 = arith.constant 7 : index
    %swap3A_113 = arith.constant 0 : index
    %swap3A_114 = arith.constant 0 : index
    %swap3A_115 = vector.load %arg5[%swap3A_112, %swap3A_113, %swap3A_114] : memref<16x52x300xf32, #tpu.memory_space<vmem>>, vector<1x52x300xf32>
    %swap3A_116 = vector.shape_cast %swap3A_115 : vector<1x52x300xf32> to vector<52x300xf32>
    %swap3A_117 = vector.shape_cast %dot_general3A_111 : vector<52x300xf32> to vector<1x52x300xf32>
    tpu.vector_store %arg5[%swap3A_112, %swap3A_113, %swap3A_114], %swap3A_117 {strides = array<i32>} : memref<16x52x300xf32, #tpu.memory_space<vmem>>, vector<1x52x300xf32>,
    %slice3A_118 = vector.extract_strided_slice %select_n3A_25 {offsets = [8, 0, 0], sizes = [1, 52, 51], strides = [1, 1, 1]} : vector<16x52x51xf32> to vector<1x52x51xf32>
    %squeeze3A_119 = vector.shape_cast %slice3A_118 : vector<1x52x51xf32> to vector<52x51xf32>
    %slice3A_120 = vector.extract_strided_slice %exp3A {offsets = [8, 0, 0], sizes = [1, 300, 51], strides = [1, 1, 1]} : vector<16x300x51xf32> to vector<1x300x51xf32>
    %squeeze3A_121 = vector.shape_cast %slice3A_120 : vector<1x300x51xf32> to vector<300x51xf32>
    %dot_general3A_122 = arith.constant dense<0.000000e+00> : vector<52x300xf32>
    %dot_general3A_123 = tpu.matmul %squeeze3A_119, %squeeze3A_121, %dot_general3A_122 {dimension_numbers = #tpu.dot_dimension_numbers<[1], [1], [0], [0], [0, 0, 1, 0], [], []>, transpose_lhs_hint = false} : vector<52x51xf32>, vector<300x51xf32>, vector<52x300xf32> -> vector<52x300xf32>
    %swap3A_124 = arith.constant 8 : index
    %swap3A_125 = arith.constant 0 : index
    %swap3A_126 = arith.constant 0 : index
    %swap3A_127 = vector.load %arg5[%swap3A_124, %swap3A_125, %swap3A_126] : memref<16x52x300xf32, #tpu.memory_space<vmem>>, vector<1x52x300xf32>
    %swap3A_128 = vector.shape_cast %swap3A_127 : vector<1x52x300xf32> to vector<52x300xf32>
    %swap3A_129 = vector.shape_cast %dot_general3A_123 : vector<52x300xf32> to vector<1x52x300xf32>
    tpu.vector_store %arg5[%swap3A_124, %swap3A_125, %swap3A_126], %swap3A_129 {strides = array<i32>} : memref<16x52x300xf32, #tpu.memory_space<vmem>>, vector<1x52x300xf32>,
    %slice3A_130 = vector.extract_strided_slice %select_n3A_25 {offsets = [9, 0, 0], sizes = [1, 52, 51], strides = [1, 1, 1]} : vector<16x52x51xf32> to vector<1x52x51xf32>
    %squeeze3A_131 = vector.shape_cast %slice3A_130 : vector<1x52x51xf32> to vector<52x51xf32>
    %slice3A_132 = vector.extract_strided_slice %exp3A {offsets = [9, 0, 0], sizes = [1, 300, 51], strides = [1, 1, 1]} : vector<16x300x51xf32> to vector<1x300x51xf32>
    %squeeze3A_133 = vector.shape_cast %slice3A_132 : vector<1x300x51xf32> to vector<300x51xf32>
    %dot_general3A_134 = arith.constant dense<0.000000e+00> : vector<52x300xf32>
    %dot_general3A_135 = tpu.matmul %squeeze3A_131, %squeeze3A_133, %dot_general3A_134 {dimension_numbers = #tpu.dot_dimension_numbers<[1], [1], [0], [0], [0, 0, 1, 0], [], []>, transpose_lhs_hint = false} : vector<52x51xf32>, vector<300x51xf32>, vector<52x300xf32> -> vector<52x300xf32>
    %swap3A_136 = arith.constant 9 : index
    %swap3A_137 = arith.constant 0 : index
    %swap3A_138 = arith.constant 0 : index
    %swap3A_139 = vector.load %arg5[%swap3A_136, %swap3A_137, %swap3A_138] : memref<16x52x300xf32, #tpu.memory_space<vmem>>, vector<1x52x300xf32>
    %swap3A_140 = vector.shape_cast %swap3A_139 : vector<1x52x300xf32> to vector<52x300xf32>
    %swap3A_141 = vector.shape_cast %dot_general3A_135 : vector<52x300xf32> to vector<1x52x300xf32>
    tpu.vector_store %arg5[%swap3A_136, %swap3A_137, %swap3A_138], %swap3A_141 {strides = array<i32>} : memref<16x52x300xf32, #tpu.memory_space<vmem>>, vector<1x52x300xf32>,
    %slice3A_142 = vector.extract_strided_slice %select_n3A_25 {offsets = [10, 0, 0], sizes = [1, 52, 51], strides = [1, 1, 1]} : vector<16x52x51xf32> to vector<1x52x51xf32>
    %squeeze3A_143 = vector.shape_cast %slice3A_142 : vector<1x52x51xf32> to vector<52x51xf32>
    %slice3A_144 = vector.extract_strided_slice %exp3A {offsets = [10, 0, 0], sizes = [1, 300, 51], strides = [1, 1, 1]} : vector<16x300x51xf32> to vector<1x300x51xf32>
    %squeeze3A_145 = vector.shape_cast %slice3A_144 : vector<1x300x51xf32> to vector<300x51xf32>
    %dot_general3A_146 = arith.constant dense<0.000000e+00> : vector<52x300xf32>
    %dot_general3A_147 = tpu.matmul %squeeze3A_143, %squeeze3A_145, %dot_general3A_146 {dimension_numbers = #tpu.dot_dimension_numbers<[1], [1], [0], [0], [0, 0, 1, 0], [], []>, transpose_lhs_hint = false} : vector<52x51xf32>, vector<300x51xf32>, vector<52x300xf32> -> vector<52x300xf32>
    %swap3A_148 = arith.constant 10 : index
    %swap3A_149 = arith.constant 0 : index
    %swap3A_150 = arith.constant 0 : index
    %swap3A_151 = vector.load %arg5[%swap3A_148, %swap3A_149, %swap3A_150] : memref<16x52x300xf32, #tpu.memory_space<vmem>>, vector<1x52x300xf32>
    %swap3A_152 = vector.shape_cast %swap3A_151 : vector<1x52x300xf32> to vector<52x300xf32>
    %swap3A_153 = vector.shape_cast %dot_general3A_147 : vector<52x300xf32> to vector<1x52x300xf32>
    tpu.vector_store %arg5[%swap3A_148, %swap3A_149, %swap3A_150], %swap3A_153 {strides = array<i32>} : memref<16x52x300xf32, #tpu.memory_space<vmem>>, vector<1x52x300xf32>,
    %slice3A_154 = vector.extract_strided_slice %select_n3A_25 {offsets = [11, 0, 0], sizes = [1, 52, 51], strides = [1, 1, 1]} : vector<16x52x51xf32> to vector<1x52x51xf32>
    %squeeze3A_155 = vector.shape_cast %slice3A_154 : vector<1x52x51xf32> to vector<52x51xf32>
    %slice3A_156 = vector.extract_strided_slice %exp3A {offsets = [11, 0, 0], sizes = [1, 300, 51], strides = [1, 1, 1]} : vector<16x300x51xf32> to vector<1x300x51xf32>
    %squeeze3A_157 = vector.shape_cast %slice3A_156 : vector<1x300x51xf32> to vector<300x51xf32>
    %dot_general3A_158 = arith.constant dense<0.000000e+00> : vector<52x300xf32>
    %dot_general3A_159 = tpu.matmul %squeeze3A_155, %squeeze3A_157, %dot_general3A_158 {dimension_numbers = #tpu.dot_dimension_numbers<[1], [1], [0], [0], [0, 0, 1, 0], [], []>, transpose_lhs_hint = false} : vector<52x51xf32>, vector<300x51xf32>, vector<52x300xf32> -> vector<52x300xf32>
    %swap3A_160 = arith.constant 11 : index
    %swap3A_161 = arith.constant 0 : index
    %swap3A_162 = arith.constant 0 : index
    %swap3A_163 = vector.load %arg5[%swap3A_160, %swap3A_161, %swap3A_162] : memref<16x52x300xf32, #tpu.memory_space<vmem>>, vector<1x52x300xf32>
    %swap3A_164 = vector.shape_cast %swap3A_163 : vector<1x52x300xf32> to vector<52x300xf32>
    %swap3A_165 = vector.shape_cast %dot_general3A_159 : vector<52x300xf32> to vector<1x52x300xf32>
    tpu.vector_store %arg5[%swap3A_160, %swap3A_161, %swap3A_162], %swap3A_165 {strides = array<i32>} : memref<16x52x300xf32, #tpu.memory_space<vmem>>, vector<1x52x300xf32>,
    %slice3A_166 = vector.extract_strided_slice %select_n3A_25 {offsets = [12, 0, 0], sizes = [1, 52, 51], strides = [1, 1, 1]} : vector<16x52x51xf32> to vector<1x52x51xf32>
    %squeeze3A_167 = vector.shape_cast %slice3A_166 : vector<1x52x51xf32> to vector<52x51xf32>
    %slice3A_168 = vector.extract_strided_slice %exp3A {offsets = [12, 0, 0], sizes = [1, 300, 51], strides = [1, 1, 1]} : vector<16x300x51xf32> to vector<1x300x51xf32>
    %squeeze3A_169 = vector.shape_cast %slice3A_168 : vector<1x300x51xf32> to vector<300x51xf32>
    %dot_general3A_170 = arith.constant dense<0.000000e+00> : vector<52x300xf32>
    %dot_general3A_171 = tpu.matmul %squeeze3A_167, %squeeze3A_169, %dot_general3A_170 {dimension_numbers = #tpu.dot_dimension_numbers<[1], [1], [0], [0], [0, 0, 1, 0], [], []>, transpose_lhs_hint = false} : vector<52x51xf32>, vector<300x51xf32>, vector<52x300xf32> -> vector<52x300xf32>
    %swap3A_172 = arith.constant 12 : index
    %swap3A_173 = arith.constant 0 : index
    %swap3A_174 = arith.constant 0 : index
    %swap3A_175 = vector.load %arg5[%swap3A_172, %swap3A_173, %swap3A_174] : memref<16x52x300xf32, #tpu.memory_space<vmem>>, vector<1x52x300xf32>
    %swap3A_176 = vector.shape_cast %swap3A_175 : vector<1x52x300xf32> to vector<52x300xf32>
    %swap3A_177 = vector.shape_cast %dot_general3A_171 : vector<52x300xf32> to vector<1x52x300xf32>
    tpu.vector_store %arg5[%swap3A_172, %swap3A_173, %swap3A_174], %swap3A_177 {strides = array<i32>} : memref<16x52x300xf32, #tpu.memory_space<vmem>>, vector<1x52x300xf32>,
    %slice3A_178 = vector.extract_strided_slice %select_n3A_25 {offsets = [13, 0, 0], sizes = [1, 52, 51], strides = [1, 1, 1]} : vector<16x52x51xf32> to vector<1x52x51xf32>
    %squeeze3A_179 = vector.shape_cast %slice3A_178 : vector<1x52x51xf32> to vector<52x51xf32>
    %slice3A_180 = vector.extract_strided_slice %exp3A {offsets = [13, 0, 0], sizes = [1, 300, 51], strides = [1, 1, 1]} : vector<16x300x51xf32> to vector<1x300x51xf32>
    %squeeze3A_181 = vector.shape_cast %slice3A_180 : vector<1x300x51xf32> to vector<300x51xf32>
    %dot_general3A_182 = arith.constant dense<0.000000e+00> : vector<52x300xf32>
    %dot_general3A_183 = tpu.matmul %squeeze3A_179, %squeeze3A_181, %dot_general3A_182 {dimension_numbers = #tpu.dot_dimension_numbers<[1], [1], [0], [0], [0, 0, 1, 0], [], []>, transpose_lhs_hint = false} : vector<52x51xf32>, vector<300x51xf32>, vector<52x300xf32> -> vector<52x300xf32>
    %swap3A_184 = arith.constant 13 : index
    %swap3A_185 = arith.constant 0 : index
    %swap3A_186 = arith.constant 0 : index
    %swap3A_187 = vector.load %arg5[%swap3A_184, %swap3A_185, %swap3A_186] : memref<16x52x300xf32, #tpu.memory_space<vmem>>, vector<1x52x300xf32>
    %swap3A_188 = vector.shape_cast %swap3A_187 : vector<1x52x300xf32> to vector<52x300xf32>
    %swap3A_189 = vector.shape_cast %dot_general3A_183 : vector<52x300xf32> to vector<1x52x300xf32>
    tpu.vector_store %arg5[%swap3A_184, %swap3A_185, %swap3A_186], %swap3A_189 {strides = array<i32>} : memref<16x52x300xf32, #tpu.memory_space<vmem>>, vector<1x52x300xf32>,
    %slice3A_190 = vector.extract_strided_slice %select_n3A_25 {offsets = [14, 0, 0], sizes = [1, 52, 51], strides = [1, 1, 1]} : vector<16x52x51xf32> to vector<1x52x51xf32>
    %squeeze3A_191 = vector.shape_cast %slice3A_190 : vector<1x52x51xf32> to vector<52x51xf32>
    %slice3A_192 = vector.extract_strided_slice %exp3A {offsets = [14, 0, 0], sizes = [1, 300, 51], strides = [1, 1, 1]} : vector<16x300x51xf32> to vector<1x300x51xf32>
    %squeeze3A_193 = vector.shape_cast %slice3A_192 : vector<1x300x51xf32> to vector<300x51xf32>
    %dot_general3A_194 = arith.constant dense<0.000000e+00> : vector<52x300xf32>
    %dot_general3A_195 = tpu.matmul %squeeze3A_191, %squeeze3A_193, %dot_general3A_194 {dimension_numbers = #tpu.dot_dimension_numbers<[1], [1], [0], [0], [0, 0, 1, 0], [], []>, transpose_lhs_hint = false} : vector<52x51xf32>, vector<300x51xf32>, vector<52x300xf32> -> vector<52x300xf32>
    %swap3A_196 = arith.constant 14 : index
    %swap3A_197 = arith.constant 0 : index
    %swap3A_198 = arith.constant 0 : index
    %swap3A_199 = vector.load %arg5[%swap3A_196, %swap3A_197, %swap3A_198] : memref<16x52x300xf32, #tpu.memory_space<vmem>>, vector<1x52x300xf32>
    %swap3A_200 = vector.shape_cast %swap3A_199 : vector<1x52x300xf32> to vector<52x300xf32>
    %swap3A_201 = vector.shape_cast %dot_general3A_195 : vector<52x300xf32> to vector<1x52x300xf32>
    tpu.vector_store %arg5[%swap3A_196, %swap3A_197, %swap3A_198], %swap3A_201 {strides = array<i32>} : memref<16x52x300xf32, #tpu.memory_space<vmem>>, vector<1x52x300xf32>,
    %slice3A_202 = vector.extract_strided_slice %select_n3A_25 {offsets = [15, 0, 0], sizes = [1, 52, 51], strides = [1, 1, 1]} : vector<16x52x51xf32> to vector<1x52x51xf32>
    %squeeze3A_203 = vector.shape_cast %slice3A_202 : vector<1x52x51xf32> to vector<52x51xf32>
    %slice3A_204 = vector.extract_strided_slice %exp3A {offsets = [15, 0, 0], sizes = [1, 300, 51], strides = [1, 1, 1]} : vector<16x300x51xf32> to vector<1x300x51xf32>
    %squeeze3A_205 = vector.shape_cast %slice3A_204 : vector<1x300x51xf32> to vector<300x51xf32>
    %dot_general3A_206 = arith.constant dense<0.000000e+00> : vector<52x300xf32>
    %dot_general3A_207 = tpu.matmul %squeeze3A_203, %squeeze3A_205, %dot_general3A_206 {dimension_numbers = #tpu.dot_dimension_numbers<[1], [1], [0], [0], [0, 0, 1, 0], [], []>, transpose_lhs_hint = false} : vector<52x51xf32>, vector<300x51xf32>, vector<52x300xf32> -> vector<52x300xf32>
    %swap3A_208 = arith.constant 15 : index
    %swap3A_209 = arith.constant 0 : index
    %swap3A_210 = arith.constant 0 : index
    %swap3A_211 = vector.load %arg5[%swap3A_208, %swap3A_209, %swap3A_210] : memref<16x52x300xf32, #tpu.memory_space<vmem>>, vector<1x52x300xf32>
    %swap3A_212 = vector.shape_cast %swap3A_211 : vector<1x52x300xf32> to vector<52x300xf32>
    %swap3A_213 = vector.shape_cast %dot_general3A_207 : vector<52x300xf32> to vector<1x52x300xf32>
    tpu.vector_store %arg5[%swap3A_208, %swap3A_209, %swap3A_210], %swap3A_213 {strides = array<i32>} : memref<16x52x300xf32, #tpu.memory_space<vmem>>, vector<1x52x300xf32>,
    %get3A_214 = arith.constant 0 : index
    %get3A_215 = arith.constant 0 : index
    %get3A_216 = arith.constant 0 : index
    %get3A_217 = vector.load %arg5[%get3A_214, %get3A_215, %get3A_216] : memref<16x52x300xf32, #tpu.memory_space<vmem>>, vector<16x50x300xf32>
    %get3A_218 = arith.constant 0 : index
    %get3A_219 = arith.constant 50 : index
    %get3A_220 = arith.constant 0 : index
    %get3A_221 = vector.load %arg5[%get3A_218, %get3A_219, %get3A_220] : memref<16x52x300xf32, #tpu.memory_space<vmem>>, vector<16x1x300xf32>
    %get3A_222 = arith.constant 0 : index
    %get3A_223 = arith.constant 51 : index
    %get3A_224 = arith.constant 0 : index
    %get3A_225 = vector.load %arg5[%get3A_222, %get3A_223, %get3A_224] : memref<16x52x300xf32, #tpu.memory_space<vmem>>, vector<16x1x300xf32>
    %div3A = vector.broadcast %get3A_221 : vector<16x1x300xf32> to vector<16x50x300xf32>
    %div3A_226 = arith.divf %get3A_217, %div3A : vector<16x50x300xf32>
    %neg3A = arith.constant 0.000000e+00 : f32
    %neg3A_227 = vector.broadcast %neg3A : f32 to vector<16x50x300xf32>
    %neg3A_228 = arith.subf %neg3A_227, %div3A_226 : vector<16x50x300xf32>
    %log3A = math.log %get3A_221 : vector<16x1x300xf32>
    %log3A_229 = math.log %get3A_217 : vector<16x50x300xf32>
    %sub3A_230 = vector.broadcast %log3A : vector<16x1x300xf32> to vector<16x50x300xf32>
    %sub3A_231 = arith.subf %log3A_229, %sub3A_230 : vector<16x50x300xf32>
    %log3A_232 = math.log %get3A_225 : vector<16x1x300xf32>
    %sub3A_233 = arith.subf %log3A_232, %log3A : vector<16x1x300xf32>
    %reduce_sum3A = vector.shape_cast %sub3A_233 : vector<16x1x300xf32> to vector<1x16x1x300xf32>
    %reduce_sum3A_234 = arith.constant dense<0.000000e+00> : vector<1xf32>
    %reduce_sum3A_235 = vector.multi_reduction <add>, %reduce_sum3A, %reduce_sum3A_234 [1, 2, 3] : vector<1x16x1x300xf32> to vector<1xf32>
    %reduce_sum3A_236 = vector.shape_cast %reduce_sum3A_235 : vector<1xf32> to vector<1x1x1x1xf32>
    %reduce_sum3A_237 = vector.extract %reduce_sum3A_236[0, 0, 0, 0] : f32 from vector<1x1x1x1xf32>
    %neg3A_238 = arith.constant 0.000000e+00 : f32
    %neg3A_239 = arith.subf %neg3A_238, %reduce_sum3A_237 : f32
    %iota3A_240 = tpu.iota {dimensions = array<i32: 0>} : vector<40x40xi32>
    %iota3A_241 = tpu.iota {dimensions = array<i32: 1>} : vector<40x40xi32>
    %eq3A_242 = arith.cmpi eq, %iota3A_240, %iota3A_241 : vector<40x40xi32>
    %convert_element_type3A_243 = arith.extui %eq3A_242 : vector<40x40xi1> to vector<40x40xi32>
    %convert_element_type3A_244 = arith.sitofp %convert_element_type3A_243 : vector<40x40xi32> to vector<40x40xf32>
    %get3A_245 = arith.constant 0 : index
    %get3A_246 = arith.constant 0 : index
    %get3A_247 = arith.constant 0 : index
    %get3A_248 = vector.load %arg1[%get3A_245, %get3A_246, %get3A_247] : memref<16x300x40xf32, #tpu.memory_space<vmem>>, vector<16x300x40xf32>
    %slice3A_249 = vector.extract_strided_slice %get3A_248 {offsets = [0, 0, 0], sizes = [1, 300, 40], strides = [1, 1, 1]} : vector<16x300x40xf32> to vector<1x300x40xf32>
    %squeeze3A_250 = vector.shape_cast %slice3A_249 : vector<1x300x40xf32> to vector<300x40xf32>
    %dot_general3A_251 = arith.constant dense<0.000000e+00> : vector<40x300xf32>
    %dot_general3A_252 = tpu.matmul %convert_element_type3A_244, %squeeze3A_250, %dot_general3A_251 {dimension_numbers = #tpu.dot_dimension_numbers<[1], [1], [0], [0], [0, 0, 1, 0], [], []>, transpose_lhs_hint = false} : vector<40x40xf32>, vector<300x40xf32>, vector<40x300xf32> -> vector<40x300xf32>
    %swap3A_253 = arith.constant 0 : index
    %swap3A_254 = arith.constant 0 : index
    %swap3A_255 = arith.constant 0 : index
    %swap3A_256 = vector.load %arg6[%swap3A_253, %swap3A_254, %swap3A_255] : memref<16x40x300xf32, #tpu.memory_space<vmem>>, vector<1x40x300xf32>
    %swap3A_257 = vector.shape_cast %swap3A_256 : vector<1x40x300xf32> to vector<40x300xf32>
    %swap3A_258 = vector.shape_cast %dot_general3A_252 : vector<40x300xf32> to vector<1x40x300xf32>
    tpu.vector_store %arg6[%swap3A_253, %swap3A_254, %swap3A_255], %swap3A_258 {strides = array<i32>} : memref<16x40x300xf32, #tpu.memory_space<vmem>>, vector<1x40x300xf32>,
    %slice3A_259 = vector.extract_strided_slice %get3A_248 {offsets = [1, 0, 0], sizes = [1, 300, 40], strides = [1, 1, 1]} : vector<16x300x40xf32> to vector<1x300x40xf32>
    %squeeze3A_260 = vector.shape_cast %slice3A_259 : vector<1x300x40xf32> to vector<300x40xf32>
    %dot_general3A_261 = arith.constant dense<0.000000e+00> : vector<40x300xf32>
    %dot_general3A_262 = tpu.matmul %convert_element_type3A_244, %squeeze3A_260, %dot_general3A_261 {dimension_numbers = #tpu.dot_dimension_numbers<[1], [1], [0], [0], [0, 0, 1, 0], [], []>, transpose_lhs_hint = false} : vector<40x40xf32>, vector<300x40xf32>, vector<40x300xf32> -> vector<40x300xf32>
    %swap3A_263 = arith.constant 1 : index
    %swap3A_264 = arith.constant 0 : index
    %swap3A_265 = arith.constant 0 : index
    %swap3A_266 = vector.load %arg6[%swap3A_263, %swap3A_264, %swap3A_265] : memref<16x40x300xf32, #tpu.memory_space<vmem>>, vector<1x40x300xf32>
    %swap3A_267 = vector.shape_cast %swap3A_266 : vector<1x40x300xf32> to vector<40x300xf32>
    %swap3A_268 = vector.shape_cast %dot_general3A_262 : vector<40x300xf32> to vector<1x40x300xf32>
    tpu.vector_store %arg6[%swap3A_263, %swap3A_264, %swap3A_265], %swap3A_268 {strides = array<i32>} : memref<16x40x300xf32, #tpu.memory_space<vmem>>, vector<1x40x300xf32>,
    %slice3A_269 = vector.extract_strided_slice %get3A_248 {offsets = [2, 0, 0], sizes = [1, 300, 40], strides = [1, 1, 1]} : vector<16x300x40xf32> to vector<1x300x40xf32>
    %squeeze3A_270 = vector.shape_cast %slice3A_269 : vector<1x300x40xf32> to vector<300x40xf32>
    %dot_general3A_271 = arith.constant dense<0.000000e+00> : vector<40x300xf32>
    %dot_general3A_272 = tpu.matmul %convert_element_type3A_244, %squeeze3A_270, %dot_general3A_271 {dimension_numbers = #tpu.dot_dimension_numbers<[1], [1], [0], [0], [0, 0, 1, 0], [], []>, transpose_lhs_hint = false} : vector<40x40xf32>, vector<300x40xf32>, vector<40x300xf32> -> vector<40x300xf32>
    %swap3A_273 = arith.constant 2 : index
    %swap3A_274 = arith.constant 0 : index
    %swap3A_275 = arith.constant 0 : index
    %swap3A_276 = vector.load %arg6[%swap3A_273, %swap3A_274, %swap3A_275] : memref<16x40x300xf32, #tpu.memory_space<vmem>>, vector<1x40x300xf32>
    %swap3A_277 = vector.shape_cast %swap3A_276 : vector<1x40x300xf32> to vector<40x300xf32>
    %swap3A_278 = vector.shape_cast %dot_general3A_272 : vector<40x300xf32> to vector<1x40x300xf32>
    tpu.vector_store %arg6[%swap3A_273, %swap3A_274, %swap3A_275], %swap3A_278 {strides = array<i32>} : memref<16x40x300xf32, #tpu.memory_space<vmem>>, vector<1x40x300xf32>,
    %slice3A_279 = vector.extract_strided_slice %get3A_248 {offsets = [3, 0, 0], sizes = [1, 300, 40], strides = [1, 1, 1]} : vector<16x300x40xf32> to vector<1x300x40xf32>
    %squeeze3A_280 = vector.shape_cast %slice3A_279 : vector<1x300x40xf32> to vector<300x40xf32>
    %dot_general3A_281 = arith.constant dense<0.000000e+00> : vector<40x300xf32>
    %dot_general3A_282 = tpu.matmul %convert_element_type3A_244, %squeeze3A_280, %dot_general3A_281 {dimension_numbers = #tpu.dot_dimension_numbers<[1], [1], [0], [0], [0, 0, 1, 0], [], []>, transpose_lhs_hint = false} : vector<40x40xf32>, vector<300x40xf32>, vector<40x300xf32> -> vector<40x300xf32>
    %swap3A_283 = arith.constant 3 : index
    %swap3A_284 = arith.constant 0 : index
    %swap3A_285 = arith.constant 0 : index
    %swap3A_286 = vector.load %arg6[%swap3A_283, %swap3A_284, %swap3A_285] : memref<16x40x300xf32, #tpu.memory_space<vmem>>, vector<1x40x300xf32>
    %swap3A_287 = vector.shape_cast %swap3A_286 : vector<1x40x300xf32> to vector<40x300xf32>
    %swap3A_288 = vector.shape_cast %dot_general3A_282 : vector<40x300xf32> to vector<1x40x300xf32>
    tpu.vector_store %arg6[%swap3A_283, %swap3A_284, %swap3A_285], %swap3A_288 {strides = array<i32>} : memref<16x40x300xf32, #tpu.memory_space<vmem>>, vector<1x40x300xf32>,
    %slice3A_289 = vector.extract_strided_slice %get3A_248 {offsets = [4, 0, 0], sizes = [1, 300, 40], strides = [1, 1, 1]} : vector<16x300x40xf32> to vector<1x300x40xf32>
    %squeeze3A_290 = vector.shape_cast %slice3A_289 : vector<1x300x40xf32> to vector<300x40xf32>
    %dot_general3A_291 = arith.constant dense<0.000000e+00> : vector<40x300xf32>
    %dot_general3A_292 = tpu.matmul %convert_element_type3A_244, %squeeze3A_290, %dot_general3A_291 {dimension_numbers = #tpu.dot_dimension_numbers<[1], [1], [0], [0], [0, 0, 1, 0], [], []>, transpose_lhs_hint = false} : vector<40x40xf32>, vector<300x40xf32>, vector<40x300xf32> -> vector<40x300xf32>
    %swap3A_293 = arith.constant 4 : index
    %swap3A_294 = arith.constant 0 : index
    %swap3A_295 = arith.constant 0 : index
    %swap3A_296 = vector.load %arg6[%swap3A_293, %swap3A_294, %swap3A_295] : memref<16x40x300xf32, #tpu.memory_space<vmem>>, vector<1x40x300xf32>
    %swap3A_297 = vector.shape_cast %swap3A_296 : vector<1x40x300xf32> to vector<40x300xf32>
    %swap3A_298 = vector.shape_cast %dot_general3A_292 : vector<40x300xf32> to vector<1x40x300xf32>
    tpu.vector_store %arg6[%swap3A_293, %swap3A_294, %swap3A_295], %swap3A_298 {strides = array<i32>} : memref<16x40x300xf32, #tpu.memory_space<vmem>>, vector<1x40x300xf32>,
    %slice3A_299 = vector.extract_strided_slice %get3A_248 {offsets = [5, 0, 0], sizes = [1, 300, 40], strides = [1, 1, 1]} : vector<16x300x40xf32> to vector<1x300x40xf32>
    %squeeze3A_300 = vector.shape_cast %slice3A_299 : vector<1x300x40xf32> to vector<300x40xf32>
    %dot_general3A_301 = arith.constant dense<0.000000e+00> : vector<40x300xf32>
    %dot_general3A_302 = tpu.matmul %convert_element_type3A_244, %squeeze3A_300, %dot_general3A_301 {dimension_numbers = #tpu.dot_dimension_numbers<[1], [1], [0], [0], [0, 0, 1, 0], [], []>, transpose_lhs_hint = false} : vector<40x40xf32>, vector<300x40xf32>, vector<40x300xf32> -> vector<40x300xf32>
    %swap3A_303 = arith.constant 5 : index
    %swap3A_304 = arith.constant 0 : index
    %swap3A_305 = arith.constant 0 : index
    %swap3A_306 = vector.load %arg6[%swap3A_303, %swap3A_304, %swap3A_305] : memref<16x40x300xf32, #tpu.memory_space<vmem>>, vector<1x40x300xf32>
    %swap3A_307 = vector.shape_cast %swap3A_306 : vector<1x40x300xf32> to vector<40x300xf32>
    %swap3A_308 = vector.shape_cast %dot_general3A_302 : vector<40x300xf32> to vector<1x40x300xf32>
    tpu.vector_store %arg6[%swap3A_303, %swap3A_304, %swap3A_305], %swap3A_308 {strides = array<i32>} : memref<16x40x300xf32, #tpu.memory_space<vmem>>, vector<1x40x300xf32>,
    %slice3A_309 = vector.extract_strided_slice %get3A_248 {offsets = [6, 0, 0], sizes = [1, 300, 40], strides = [1, 1, 1]} : vector<16x300x40xf32> to vector<1x300x40xf32>
    %squeeze3A_310 = vector.shape_cast %slice3A_309 : vector<1x300x40xf32> to vector<300x40xf32>
    %dot_general3A_311 = arith.constant dense<0.000000e+00> : vector<40x300xf32>
    %dot_general3A_312 = tpu.matmul %convert_element_type3A_244, %squeeze3A_310, %dot_general3A_311 {dimension_numbers = #tpu.dot_dimension_numbers<[1], [1], [0], [0], [0, 0, 1, 0], [], []>, transpose_lhs_hint = false} : vector<40x40xf32>, vector<300x40xf32>, vector<40x300xf32> -> vector<40x300xf32>
    %swap3A_313 = arith.constant 6 : index
    %swap3A_314 = arith.constant 0 : index
    %swap3A_315 = arith.constant 0 : index
    %swap3A_316 = vector.load %arg6[%swap3A_313, %swap3A_314, %swap3A_315] : memref<16x40x300xf32, #tpu.memory_space<vmem>>, vector<1x40x300xf32>
    %swap3A_317 = vector.shape_cast %swap3A_316 : vector<1x40x300xf32> to vector<40x300xf32>
    %swap3A_318 = vector.shape_cast %dot_general3A_312 : vector<40x300xf32> to vector<1x40x300xf32>
    tpu.vector_store %arg6[%swap3A_313, %swap3A_314, %swap3A_315], %swap3A_318 {strides = array<i32>} : memref<16x40x300xf32, #tpu.memory_space<vmem>>, vector<1x40x300xf32>,
    %slice3A_319 = vector.extract_strided_slice %get3A_248 {offsets = [7, 0, 0], sizes = [1, 300, 40], strides = [1, 1, 1]} : vector<16x300x40xf32> to vector<1x300x40xf32>
    %squeeze3A_320 = vector.shape_cast %slice3A_319 : vector<1x300x40xf32> to vector<300x40xf32>
    %dot_general3A_321 = arith.constant dense<0.000000e+00> : vector<40x300xf32>
    %dot_general3A_322 = tpu.matmul %convert_element_type3A_244, %squeeze3A_320, %dot_general3A_321 {dimension_numbers = #tpu.dot_dimension_numbers<[1], [1], [0], [0], [0, 0, 1, 0], [], []>, transpose_lhs_hint = false} : vector<40x40xf32>, vector<300x40xf32>, vector<40x300xf32> -> vector<40x300xf32>
    %swap3A_323 = arith.constant 7 : index
    %swap3A_324 = arith.constant 0 : index
    %swap3A_325 = arith.constant 0 : index
    %swap3A_326 = vector.load %arg6[%swap3A_323, %swap3A_324, %swap3A_325] : memref<16x40x300xf32, #tpu.memory_space<vmem>>, vector<1x40x300xf32>
    %swap3A_327 = vector.shape_cast %swap3A_326 : vector<1x40x300xf32> to vector<40x300xf32>
    %swap3A_328 = vector.shape_cast %dot_general3A_322 : vector<40x300xf32> to vector<1x40x300xf32>
    tpu.vector_store %arg6[%swap3A_323, %swap3A_324, %swap3A_325], %swap3A_328 {strides = array<i32>} : memref<16x40x300xf32, #tpu.memory_space<vmem>>, vector<1x40x300xf32>,
    %slice3A_329 = vector.extract_strided_slice %get3A_248 {offsets = [8, 0, 0], sizes = [1, 300, 40], strides = [1, 1, 1]} : vector<16x300x40xf32> to vector<1x300x40xf32>
    %squeeze3A_330 = vector.shape_cast %slice3A_329 : vector<1x300x40xf32> to vector<300x40xf32>
    %dot_general3A_331 = arith.constant dense<0.000000e+00> : vector<40x300xf32>
    %dot_general3A_332 = tpu.matmul %convert_element_type3A_244, %squeeze3A_330, %dot_general3A_331 {dimension_numbers = #tpu.dot_dimension_numbers<[1], [1], [0], [0], [0, 0, 1, 0], [], []>, transpose_lhs_hint = false} : vector<40x40xf32>, vector<300x40xf32>, vector<40x300xf32> -> vector<40x300xf32>
    %swap3A_333 = arith.constant 8 : index
    %swap3A_334 = arith.constant 0 : index
    %swap3A_335 = arith.constant 0 : index
    %swap3A_336 = vector.load %arg6[%swap3A_333, %swap3A_334, %swap3A_335] : memref<16x40x300xf32, #tpu.memory_space<vmem>>, vector<1x40x300xf32>
    %swap3A_337 = vector.shape_cast %swap3A_336 : vector<1x40x300xf32> to vector<40x300xf32>
    %swap3A_338 = vector.shape_cast %dot_general3A_332 : vector<40x300xf32> to vector<1x40x300xf32>
    tpu.vector_store %arg6[%swap3A_333, %swap3A_334, %swap3A_335], %swap3A_338 {strides = array<i32>} : memref<16x40x300xf32, #tpu.memory_space<vmem>>, vector<1x40x300xf32>,
    %slice3A_339 = vector.extract_strided_slice %get3A_248 {offsets = [9, 0, 0], sizes = [1, 300, 40], strides = [1, 1, 1]} : vector<16x300x40xf32> to vector<1x300x40xf32>
    %squeeze3A_340 = vector.shape_cast %slice3A_339 : vector<1x300x40xf32> to vector<300x40xf32>
    %dot_general3A_341 = arith.constant dense<0.000000e+00> : vector<40x300xf32>
    %dot_general3A_342 = tpu.matmul %convert_element_type3A_244, %squeeze3A_340, %dot_general3A_341 {dimension_numbers = #tpu.dot_dimension_numbers<[1], [1], [0], [0], [0, 0, 1, 0], [], []>, transpose_lhs_hint = false} : vector<40x40xf32>, vector<300x40xf32>, vector<40x300xf32> -> vector<40x300xf32>
    %swap3A_343 = arith.constant 9 : index
    %swap3A_344 = arith.constant 0 : index
    %swap3A_345 = arith.constant 0 : index
    %swap3A_346 = vector.load %arg6[%swap3A_343, %swap3A_344, %swap3A_345] : memref<16x40x300xf32, #tpu.memory_space<vmem>>, vector<1x40x300xf32>
    %swap3A_347 = vector.shape_cast %swap3A_346 : vector<1x40x300xf32> to vector<40x300xf32>
    %swap3A_348 = vector.shape_cast %dot_general3A_342 : vector<40x300xf32> to vector<1x40x300xf32>
    tpu.vector_store %arg6[%swap3A_343, %swap3A_344, %swap3A_345], %swap3A_348 {strides = array<i32>} : memref<16x40x300xf32, #tpu.memory_space<vmem>>, vector<1x40x300xf32>,
    %slice3A_349 = vector.extract_strided_slice %get3A_248 {offsets = [10, 0, 0], sizes = [1, 300, 40], strides = [1, 1, 1]} : vector<16x300x40xf32> to vector<1x300x40xf32>
    %squeeze3A_350 = vector.shape_cast %slice3A_349 : vector<1x300x40xf32> to vector<300x40xf32>
    %dot_general3A_351 = arith.constant dense<0.000000e+00> : vector<40x300xf32>
    %dot_general3A_352 = tpu.matmul %convert_element_type3A_244, %squeeze3A_350, %dot_general3A_351 {dimension_numbers = #tpu.dot_dimension_numbers<[1], [1], [0], [0], [0, 0, 1, 0], [], []>, transpose_lhs_hint = false} : vector<40x40xf32>, vector<300x40xf32>, vector<40x300xf32> -> vector<40x300xf32>
    %swap3A_353 = arith.constant 10 : index
    %swap3A_354 = arith.constant 0 : index
    %swap3A_355 = arith.constant 0 : index
    %swap3A_356 = vector.load %arg6[%swap3A_353, %swap3A_354, %swap3A_355] : memref<16x40x300xf32, #tpu.memory_space<vmem>>, vector<1x40x300xf32>
    %swap3A_357 = vector.shape_cast %swap3A_356 : vector<1x40x300xf32> to vector<40x300xf32>
    %swap3A_358 = vector.shape_cast %dot_general3A_352 : vector<40x300xf32> to vector<1x40x300xf32>
    tpu.vector_store %arg6[%swap3A_353, %swap3A_354, %swap3A_355], %swap3A_358 {strides = array<i32>} : memref<16x40x300xf32, #tpu.memory_space<vmem>>, vector<1x40x300xf32>,
    %slice3A_359 = vector.extract_strided_slice %get3A_248 {offsets = [11, 0, 0], sizes = [1, 300, 40], strides = [1, 1, 1]} : vector<16x300x40xf32> to vector<1x300x40xf32>
    %squeeze3A_360 = vector.shape_cast %slice3A_359 : vector<1x300x40xf32> to vector<300x40xf32>
    %dot_general3A_361 = arith.constant dense<0.000000e+00> : vector<40x300xf32>
    %dot_general3A_362 = tpu.matmul %convert_element_type3A_244, %squeeze3A_360, %dot_general3A_361 {dimension_numbers = #tpu.dot_dimension_numbers<[1], [1], [0], [0], [0, 0, 1, 0], [], []>, transpose_lhs_hint = false} : vector<40x40xf32>, vector<300x40xf32>, vector<40x300xf32> -> vector<40x300xf32>
    %swap3A_363 = arith.constant 11 : index
    %swap3A_364 = arith.constant 0 : index
    %swap3A_365 = arith.constant 0 : index
    %swap3A_366 = vector.load %arg6[%swap3A_363, %swap3A_364, %swap3A_365] : memref<16x40x300xf32, #tpu.memory_space<vmem>>, vector<1x40x300xf32>
    %swap3A_367 = vector.shape_cast %swap3A_366 : vector<1x40x300xf32> to vector<40x300xf32>
    %swap3A_368 = vector.shape_cast %dot_general3A_362 : vector<40x300xf32> to vector<1x40x300xf32>
    tpu.vector_store %arg6[%swap3A_363, %swap3A_364, %swap3A_365], %swap3A_368 {strides = array<i32>} : memref<16x40x300xf32, #tpu.memory_space<vmem>>, vector<1x40x300xf32>,
    %slice3A_369 = vector.extract_strided_slice %get3A_248 {offsets = [12, 0, 0], sizes = [1, 300, 40], strides = [1, 1, 1]} : vector<16x300x40xf32> to vector<1x300x40xf32>
    %squeeze3A_370 = vector.shape_cast %slice3A_369 : vector<1x300x40xf32> to vector<300x40xf32>
    %dot_general3A_371 = arith.constant dense<0.000000e+00> : vector<40x300xf32>
    %dot_general3A_372 = tpu.matmul %convert_element_type3A_244, %squeeze3A_370, %dot_general3A_371 {dimension_numbers = #tpu.dot_dimension_numbers<[1], [1], [0], [0], [0, 0, 1, 0], [], []>, transpose_lhs_hint = false} : vector<40x40xf32>, vector<300x40xf32>, vector<40x300xf32> -> vector<40x300xf32>
    %swap3A_373 = arith.constant 12 : index
    %swap3A_374 = arith.constant 0 : index
    %swap3A_375 = arith.constant 0 : index
    %swap3A_376 = vector.load %arg6[%swap3A_373, %swap3A_374, %swap3A_375] : memref<16x40x300xf32, #tpu.memory_space<vmem>>, vector<1x40x300xf32>
    %swap3A_377 = vector.shape_cast %swap3A_376 : vector<1x40x300xf32> to vector<40x300xf32>
    %swap3A_378 = vector.shape_cast %dot_general3A_372 : vector<40x300xf32> to vector<1x40x300xf32>
    tpu.vector_store %arg6[%swap3A_373, %swap3A_374, %swap3A_375], %swap3A_378 {strides = array<i32>} : memref<16x40x300xf32, #tpu.memory_space<vmem>>, vector<1x40x300xf32>,
    %slice3A_379 = vector.extract_strided_slice %get3A_248 {offsets = [13, 0, 0], sizes = [1, 300, 40], strides = [1, 1, 1]} : vector<16x300x40xf32> to vector<1x300x40xf32>
    %squeeze3A_380 = vector.shape_cast %slice3A_379 : vector<1x300x40xf32> to vector<300x40xf32>
    %dot_general3A_381 = arith.constant dense<0.000000e+00> : vector<40x300xf32>
    %dot_general3A_382 = tpu.matmul %convert_element_type3A_244, %squeeze3A_380, %dot_general3A_381 {dimension_numbers = #tpu.dot_dimension_numbers<[1], [1], [0], [0], [0, 0, 1, 0], [], []>, transpose_lhs_hint = false} : vector<40x40xf32>, vector<300x40xf32>, vector<40x300xf32> -> vector<40x300xf32>
    %swap3A_383 = arith.constant 13 : index
    %swap3A_384 = arith.constant 0 : index
    %swap3A_385 = arith.constant 0 : index
    %swap3A_386 = vector.load %arg6[%swap3A_383, %swap3A_384, %swap3A_385] : memref<16x40x300xf32, #tpu.memory_space<vmem>>, vector<1x40x300xf32>
    %swap3A_387 = vector.shape_cast %swap3A_386 : vector<1x40x300xf32> to vector<40x300xf32>
    %swap3A_388 = vector.shape_cast %dot_general3A_382 : vector<40x300xf32> to vector<1x40x300xf32>
    tpu.vector_store %arg6[%swap3A_383, %swap3A_384, %swap3A_385], %swap3A_388 {strides = array<i32>} : memref<16x40x300xf32, #tpu.memory_space<vmem>>, vector<1x40x300xf32>,
    %slice3A_389 = vector.extract_strided_slice %get3A_248 {offsets = [14, 0, 0], sizes = [1, 300, 40], strides = [1, 1, 1]} : vector<16x300x40xf32> to vector<1x300x40xf32>
    %squeeze3A_390 = vector.shape_cast %slice3A_389 : vector<1x300x40xf32> to vector<300x40xf32>
    %dot_general3A_391 = arith.constant dense<0.000000e+00> : vector<40x300xf32>
    %dot_general3A_392 = tpu.matmul %convert_element_type3A_244, %squeeze3A_390, %dot_general3A_391 {dimension_numbers = #tpu.dot_dimension_numbers<[1], [1], [0], [0], [0, 0, 1, 0], [], []>, transpose_lhs_hint = false} : vector<40x40xf32>, vector<300x40xf32>, vector<40x300xf32> -> vector<40x300xf32>
    %swap3A_393 = arith.constant 14 : index
    %swap3A_394 = arith.constant 0 : index
    %swap3A_395 = arith.constant 0 : index
    %swap3A_396 = vector.load %arg6[%swap3A_393, %swap3A_394, %swap3A_395] : memref<16x40x300xf32, #tpu.memory_space<vmem>>, vector<1x40x300xf32>
    %swap3A_397 = vector.shape_cast %swap3A_396 : vector<1x40x300xf32> to vector<40x300xf32>
    %swap3A_398 = vector.shape_cast %dot_general3A_392 : vector<40x300xf32> to vector<1x40x300xf32>
    tpu.vector_store %arg6[%swap3A_393, %swap3A_394, %swap3A_395], %swap3A_398 {strides = array<i32>} : memref<16x40x300xf32, #tpu.memory_space<vmem>>, vector<1x40x300xf32>,
    %slice3A_399 = vector.extract_strided_slice %get3A_248 {offsets = [15, 0, 0], sizes = [1, 300, 40], strides = [1, 1, 1]} : vector<16x300x40xf32> to vector<1x300x40xf32>
    %squeeze3A_400 = vector.shape_cast %slice3A_399 : vector<1x300x40xf32> to vector<300x40xf32>
    %dot_general3A_401 = arith.constant dense<0.000000e+00> : vector<40x300xf32>
    %dot_general3A_402 = tpu.matmul %convert_element_type3A_244, %squeeze3A_400, %dot_general3A_401 {dimension_numbers = #tpu.dot_dimension_numbers<[1], [1], [0], [0], [0, 0, 1, 0], [], []>, transpose_lhs_hint = false} : vector<40x40xf32>, vector<300x40xf32>, vector<40x300xf32> -> vector<40x300xf32>
    %swap3A_403 = arith.constant 15 : index
    %swap3A_404 = arith.constant 0 : index
    %swap3A_405 = arith.constant 0 : index
    %swap3A_406 = vector.load %arg6[%swap3A_403, %swap3A_404, %swap3A_405] : memref<16x40x300xf32, #tpu.memory_space<vmem>>, vector<1x40x300xf32>
    %swap3A_407 = vector.shape_cast %swap3A_406 : vector<1x40x300xf32> to vector<40x300xf32>
    %swap3A_408 = vector.shape_cast %dot_general3A_402 : vector<40x300xf32> to vector<1x40x300xf32>
    tpu.vector_store %arg6[%swap3A_403, %swap3A_404, %swap3A_405], %swap3A_408 {strides = array<i32>} : memref<16x40x300xf32, #tpu.memory_space<vmem>>, vector<1x40x300xf32>,
    %get3A_409 = arith.constant 0 : index
    %get3A_410 = arith.constant 0 : index
    %get3A_411 = arith.constant 0 : index
    %get3A_412 = vector.load %arg3[%get3A_409, %get3A_410, %get3A_411] : memref<16x50x40xf32, #tpu.memory_space<vmem>>, vector<16x50x40xf32>
    %broadcast_in_dim3A_413 = arith.constant 0.000000e+00 : f32
    %broadcast_in_dim3A_414 = vector.broadcast %broadcast_in_dim3A_413 : f32 to vector<16x50x300xf32>
    %get3A_415 = arith.constant 0 : index
    %get3A_416 = arith.constant 0 : index
    %get3A_417 = arith.constant 0 : index
    %get3A_418 = vector.load %arg6[%get3A_415, %get3A_416, %get3A_417] : memref<16x40x300xf32, #tpu.memory_space<vmem>>, vector<16x1x300xf32>
    %slice3A_419 = vector.extract_strided_slice %get3A_412 {offsets = [0, 0, 0], sizes = [16, 50, 1], strides = [1, 1, 1]} : vector<16x50x40xf32> to vector<16x50x1xf32>
    %sub3A_420 = vector.broadcast %get3A_418 : vector<16x1x300xf32> to vector<16x50x300xf32>
    %sub3A_421 = vector.broadcast %slice3A_419 : vector<16x50x1xf32> to vector<16x50x300xf32>
    %sub3A_422 = arith.subf %sub3A_420, %sub3A_421 : vector<16x50x300xf32>
    %abs3A = math.absf %sub3A_422 : vector<16x50x300xf32>
    %add3A = arith.addf %broadcast_in_dim3A_414, %abs3A : vector<16x50x300xf32>
    %get3A_423 = arith.constant 0 : index
    %get3A_424 = arith.constant 1 : index
    %get3A_425 = arith.constant 0 : index
    %get3A_426 = vector.load %arg6[%get3A_423, %get3A_424, %get3A_425] : memref<16x40x300xf32, #tpu.memory_space<vmem>>, vector<16x1x300xf32>
    %slice3A_427 = vector.extract_strided_slice %get3A_412 {offsets = [0, 0, 1], sizes = [16, 50, 1], strides = [1, 1, 1]} : vector<16x50x40xf32> to vector<16x50x1xf32>
    %sub3A_428 = vector.broadcast %get3A_426 : vector<16x1x300xf32> to vector<16x50x300xf32>
    %sub3A_429 = vector.broadcast %slice3A_427 : vector<16x50x1xf32> to vector<16x50x300xf32>
    %sub3A_430 = arith.subf %sub3A_428, %sub3A_429 : vector<16x50x300xf32>
    %abs3A_431 = math.absf %sub3A_430 : vector<16x50x300xf32>
    %add3A_432 = arith.addf %add3A, %abs3A_431 : vector<16x50x300xf32>
    %get3A_433 = arith.constant 0 : index
    %get3A_434 = arith.constant 2 : index
    %get3A_435 = arith.constant 0 : index
    %get3A_436 = vector.load %arg6[%get3A_433, %get3A_434, %get3A_435] : memref<16x40x300xf32, #tpu.memory_space<vmem>>, vector<16x1x300xf32>
    %slice3A_437 = vector.extract_strided_slice %get3A_412 {offsets = [0, 0, 2], sizes = [16, 50, 1], strides = [1, 1, 1]} : vector<16x50x40xf32> to vector<16x50x1xf32>
    %sub3A_438 = vector.broadcast %get3A_436 : vector<16x1x300xf32> to vector<16x50x300xf32>
    %sub3A_439 = vector.broadcast %slice3A_437 : vector<16x50x1xf32> to vector<16x50x300xf32>
    %sub3A_440 = arith.subf %sub3A_438, %sub3A_439 : vector<16x50x300xf32>
    %abs3A_441 = math.absf %sub3A_440 : vector<16x50x300xf32>
    %add3A_442 = arith.addf %add3A_432, %abs3A_441 : vector<16x50x300xf32>
    %get3A_443 = arith.constant 0 : index
    %get3A_444 = arith.constant 3 : index
    %get3A_445 = arith.constant 0 : index
    %get3A_446 = vector.load %arg6[%get3A_443, %get3A_444, %get3A_445] : memref<16x40x300xf32, #tpu.memory_space<vmem>>, vector<16x1x300xf32>
    %slice3A_447 = vector.extract_strided_slice %get3A_412 {offsets = [0, 0, 3], sizes = [16, 50, 1], strides = [1, 1, 1]} : vector<16x50x40xf32> to vector<16x50x1xf32>
    %sub3A_448 = vector.broadcast %get3A_446 : vector<16x1x300xf32> to vector<16x50x300xf32>
    %sub3A_449 = vector.broadcast %slice3A_447 : vector<16x50x1xf32> to vector<16x50x300xf32>
    %sub3A_450 = arith.subf %sub3A_448, %sub3A_449 : vector<16x50x300xf32>
    %abs3A_451 = math.absf %sub3A_450 : vector<16x50x300xf32>
    %add3A_452 = arith.addf %add3A_442, %abs3A_451 : vector<16x50x300xf32>
    %get3A_453 = arith.constant 0 : index
    %get3A_454 = arith.constant 4 : index
    %get3A_455 = arith.constant 0 : index
    %get3A_456 = vector.load %arg6[%get3A_453, %get3A_454, %get3A_455] : memref<16x40x300xf32, #tpu.memory_space<vmem>>, vector<16x1x300xf32>
    %slice3A_457 = vector.extract_strided_slice %get3A_412 {offsets = [0, 0, 4], sizes = [16, 50, 1], strides = [1, 1, 1]} : vector<16x50x40xf32> to vector<16x50x1xf32>
    %sub3A_458 = vector.broadcast %get3A_456 : vector<16x1x300xf32> to vector<16x50x300xf32>
    %sub3A_459 = vector.broadcast %slice3A_457 : vector<16x50x1xf32> to vector<16x50x300xf32>
    %sub3A_460 = arith.subf %sub3A_458, %sub3A_459 : vector<16x50x300xf32>
    %abs3A_461 = math.absf %sub3A_460 : vector<16x50x300xf32>
    %add3A_462 = arith.addf %add3A_452, %abs3A_461 : vector<16x50x300xf32>
    %get3A_463 = arith.constant 0 : index
    %get3A_464 = arith.constant 5 : index
    %get3A_465 = arith.constant 0 : index
    %get3A_466 = vector.load %arg6[%get3A_463, %get3A_464, %get3A_465] : memref<16x40x300xf32, #tpu.memory_space<vmem>>, vector<16x1x300xf32>
    %slice3A_467 = vector.extract_strided_slice %get3A_412 {offsets = [0, 0, 5], sizes = [16, 50, 1], strides = [1, 1, 1]} : vector<16x50x40xf32> to vector<16x50x1xf32>
    %sub3A_468 = vector.broadcast %get3A_466 : vector<16x1x300xf32> to vector<16x50x300xf32>
    %sub3A_469 = vector.broadcast %slice3A_467 : vector<16x50x1xf32> to vector<16x50x300xf32>
    %sub3A_470 = arith.subf %sub3A_468, %sub3A_469 : vector<16x50x300xf32>
    %abs3A_471 = math.absf %sub3A_470 : vector<16x50x300xf32>
    %add3A_472 = arith.addf %add3A_462, %abs3A_471 : vector<16x50x300xf32>
    %get3A_473 = arith.constant 0 : index
    %get3A_474 = arith.constant 6 : index
    %get3A_475 = arith.constant 0 : index
    %get3A_476 = vector.load %arg6[%get3A_473, %get3A_474, %get3A_475] : memref<16x40x300xf32, #tpu.memory_space<vmem>>, vector<16x1x300xf32>
    %slice3A_477 = vector.extract_strided_slice %get3A_412 {offsets = [0, 0, 6], sizes = [16, 50, 1], strides = [1, 1, 1]} : vector<16x50x40xf32> to vector<16x50x1xf32>
    %sub3A_478 = vector.broadcast %get3A_476 : vector<16x1x300xf32> to vector<16x50x300xf32>
    %sub3A_479 = vector.broadcast %slice3A_477 : vector<16x50x1xf32> to vector<16x50x300xf32>
    %sub3A_480 = arith.subf %sub3A_478, %sub3A_479 : vector<16x50x300xf32>
    %abs3A_481 = math.absf %sub3A_480 : vector<16x50x300xf32>
    %add3A_482 = arith.addf %add3A_472, %abs3A_481 : vector<16x50x300xf32>
    %get3A_483 = arith.constant 0 : index
    %get3A_484 = arith.constant 7 : index
    %get3A_485 = arith.constant 0 : index
    %get3A_486 = vector.load %arg6[%get3A_483, %get3A_484, %get3A_485] : memref<16x40x300xf32, #tpu.memory_space<vmem>>, vector<16x1x300xf32>
    %slice3A_487 = vector.extract_strided_slice %get3A_412 {offsets = [0, 0, 7], sizes = [16, 50, 1], strides = [1, 1, 1]} : vector<16x50x40xf32> to vector<16x50x1xf32>
    %sub3A_488 = vector.broadcast %get3A_486 : vector<16x1x300xf32> to vector<16x50x300xf32>
    %sub3A_489 = vector.broadcast %slice3A_487 : vector<16x50x1xf32> to vector<16x50x300xf32>
    %sub3A_490 = arith.subf %sub3A_488, %sub3A_489 : vector<16x50x300xf32>
    %abs3A_491 = math.absf %sub3A_490 : vector<16x50x300xf32>
    %add3A_492 = arith.addf %add3A_482, %abs3A_491 : vector<16x50x300xf32>
    %get3A_493 = arith.constant 0 : index
    %get3A_494 = arith.constant 8 : index
    %get3A_495 = arith.constant 0 : index
    %get3A_496 = vector.load %arg6[%get3A_493, %get3A_494, %get3A_495] : memref<16x40x300xf32, #tpu.memory_space<vmem>>, vector<16x1x300xf32>
    %slice3A_497 = vector.extract_strided_slice %get3A_412 {offsets = [0, 0, 8], sizes = [16, 50, 1], strides = [1, 1, 1]} : vector<16x50x40xf32> to vector<16x50x1xf32>
    %sub3A_498 = vector.broadcast %get3A_496 : vector<16x1x300xf32> to vector<16x50x300xf32>
    %sub3A_499 = vector.broadcast %slice3A_497 : vector<16x50x1xf32> to vector<16x50x300xf32>
    %sub3A_500 = arith.subf %sub3A_498, %sub3A_499 : vector<16x50x300xf32>
    %abs3A_501 = math.absf %sub3A_500 : vector<16x50x300xf32>
    %add3A_502 = arith.addf %add3A_492, %abs3A_501 : vector<16x50x300xf32>
    %get3A_503 = arith.constant 0 : index
    %get3A_504 = arith.constant 9 : index
    %get3A_505 = arith.constant 0 : index
    %get3A_506 = vector.load %arg6[%get3A_503, %get3A_504, %get3A_505] : memref<16x40x300xf32, #tpu.memory_space<vmem>>, vector<16x1x300xf32>
    %slice3A_507 = vector.extract_strided_slice %get3A_412 {offsets = [0, 0, 9], sizes = [16, 50, 1], strides = [1, 1, 1]} : vector<16x50x40xf32> to vector<16x50x1xf32>
    %sub3A_508 = vector.broadcast %get3A_506 : vector<16x1x300xf32> to vector<16x50x300xf32>
    %sub3A_509 = vector.broadcast %slice3A_507 : vector<16x50x1xf32> to vector<16x50x300xf32>
    %sub3A_510 = arith.subf %sub3A_508, %sub3A_509 : vector<16x50x300xf32>
    %abs3A_511 = math.absf %sub3A_510 : vector<16x50x300xf32>
    %add3A_512 = arith.addf %add3A_502, %abs3A_511 : vector<16x50x300xf32>
    %get3A_513 = arith.constant 0 : index
    %get3A_514 = arith.constant 10 : index
    %get3A_515 = arith.constant 0 : index
    %get3A_516 = vector.load %arg6[%get3A_513, %get3A_514, %get3A_515] : memref<16x40x300xf32, #tpu.memory_space<vmem>>, vector<16x1x300xf32>
    %slice3A_517 = vector.extract_strided_slice %get3A_412 {offsets = [0, 0, 10], sizes = [16, 50, 1], strides = [1, 1, 1]} : vector<16x50x40xf32> to vector<16x50x1xf32>
    %sub3A_518 = vector.broadcast %get3A_516 : vector<16x1x300xf32> to vector<16x50x300xf32>
    %sub3A_519 = vector.broadcast %slice3A_517 : vector<16x50x1xf32> to vector<16x50x300xf32>
    %sub3A_520 = arith.subf %sub3A_518, %sub3A_519 : vector<16x50x300xf32>
    %abs3A_521 = math.absf %sub3A_520 : vector<16x50x300xf32>
    %add3A_522 = arith.addf %add3A_512, %abs3A_521 : vector<16x50x300xf32>
    %get3A_523 = arith.constant 0 : index
    %get3A_524 = arith.constant 11 : index
    %get3A_525 = arith.constant 0 : index
    %get3A_526 = vector.load %arg6[%get3A_523, %get3A_524, %get3A_525] : memref<16x40x300xf32, #tpu.memory_space<vmem>>, vector<16x1x300xf32>
    %slice3A_527 = vector.extract_strided_slice %get3A_412 {offsets = [0, 0, 11], sizes = [16, 50, 1], strides = [1, 1, 1]} : vector<16x50x40xf32> to vector<16x50x1xf32>
    %sub3A_528 = vector.broadcast %get3A_526 : vector<16x1x300xf32> to vector<16x50x300xf32>
    %sub3A_529 = vector.broadcast %slice3A_527 : vector<16x50x1xf32> to vector<16x50x300xf32>
    %sub3A_530 = arith.subf %sub3A_528, %sub3A_529 : vector<16x50x300xf32>
    %abs3A_531 = math.absf %sub3A_530 : vector<16x50x300xf32>
    %add3A_532 = arith.addf %add3A_522, %abs3A_531 : vector<16x50x300xf32>
    %get3A_533 = arith.constant 0 : index
    %get3A_534 = arith.constant 12 : index
    %get3A_535 = arith.constant 0 : index
    %get3A_536 = vector.load %arg6[%get3A_533, %get3A_534, %get3A_535] : memref<16x40x300xf32, #tpu.memory_space<vmem>>, vector<16x1x300xf32>
    %slice3A_537 = vector.extract_strided_slice %get3A_412 {offsets = [0, 0, 12], sizes = [16, 50, 1], strides = [1, 1, 1]} : vector<16x50x40xf32> to vector<16x50x1xf32>
    %sub3A_538 = vector.broadcast %get3A_536 : vector<16x1x300xf32> to vector<16x50x300xf32>
    %sub3A_539 = vector.broadcast %slice3A_537 : vector<16x50x1xf32> to vector<16x50x300xf32>
    %sub3A_540 = arith.subf %sub3A_538, %sub3A_539 : vector<16x50x300xf32>
    %abs3A_541 = math.absf %sub3A_540 : vector<16x50x300xf32>
    %add3A_542 = arith.addf %add3A_532, %abs3A_541 : vector<16x50x300xf32>
    %get3A_543 = arith.constant 0 : index
    %get3A_544 = arith.constant 13 : index
    %get3A_545 = arith.constant 0 : index
    %get3A_546 = vector.load %arg6[%get3A_543, %get3A_544, %get3A_545] : memref<16x40x300xf32, #tpu.memory_space<vmem>>, vector<16x1x300xf32>
    %slice3A_547 = vector.extract_strided_slice %get3A_412 {offsets = [0, 0, 13], sizes = [16, 50, 1], strides = [1, 1, 1]} : vector<16x50x40xf32> to vector<16x50x1xf32>
    %sub3A_548 = vector.broadcast %get3A_546 : vector<16x1x300xf32> to vector<16x50x300xf32>
    %sub3A_549 = vector.broadcast %slice3A_547 : vector<16x50x1xf32> to vector<16x50x300xf32>
    %sub3A_550 = arith.subf %sub3A_548, %sub3A_549 : vector<16x50x300xf32>
    %abs3A_551 = math.absf %sub3A_550 : vector<16x50x300xf32>
    %add3A_552 = arith.addf %add3A_542, %abs3A_551 : vector<16x50x300xf32>
    %get3A_553 = arith.constant 0 : index
    %get3A_554 = arith.constant 14 : index
    %get3A_555 = arith.constant 0 : index
    %get3A_556 = vector.load %arg6[%get3A_553, %get3A_554, %get3A_555] : memref<16x40x300xf32, #tpu.memory_space<vmem>>, vector<16x1x300xf32>
    %slice3A_557 = vector.extract_strided_slice %get3A_412 {offsets = [0, 0, 14], sizes = [16, 50, 1], strides = [1, 1, 1]} : vector<16x50x40xf32> to vector<16x50x1xf32>
    %sub3A_558 = vector.broadcast %get3A_556 : vector<16x1x300xf32> to vector<16x50x300xf32>
    %sub3A_559 = vector.broadcast %slice3A_557 : vector<16x50x1xf32> to vector<16x50x300xf32>
    %sub3A_560 = arith.subf %sub3A_558, %sub3A_559 : vector<16x50x300xf32>
    %abs3A_561 = math.absf %sub3A_560 : vector<16x50x300xf32>
    %add3A_562 = arith.addf %add3A_552, %abs3A_561 : vector<16x50x300xf32>
    %get3A_563 = arith.constant 0 : index
    %get3A_564 = arith.constant 15 : index
    %get3A_565 = arith.constant 0 : index
    %get3A_566 = vector.load %arg6[%get3A_563, %get3A_564, %get3A_565] : memref<16x40x300xf32, #tpu.memory_space<vmem>>, vector<16x1x300xf32>
    %slice3A_567 = vector.extract_strided_slice %get3A_412 {offsets = [0, 0, 15], sizes = [16, 50, 1], strides = [1, 1, 1]} : vector<16x50x40xf32> to vector<16x50x1xf32>
    %sub3A_568 = vector.broadcast %get3A_566 : vector<16x1x300xf32> to vector<16x50x300xf32>
    %sub3A_569 = vector.broadcast %slice3A_567 : vector<16x50x1xf32> to vector<16x50x300xf32>
    %sub3A_570 = arith.subf %sub3A_568, %sub3A_569 : vector<16x50x300xf32>
    %abs3A_571 = math.absf %sub3A_570 : vector<16x50x300xf32>
    %add3A_572 = arith.addf %add3A_562, %abs3A_571 : vector<16x50x300xf32>
    %get3A_573 = arith.constant 0 : index
    %get3A_574 = arith.constant 16 : index
    %get3A_575 = arith.constant 0 : index
    %get3A_576 = vector.load %arg6[%get3A_573, %get3A_574, %get3A_575] : memref<16x40x300xf32, #tpu.memory_space<vmem>>, vector<16x1x300xf32>
    %slice3A_577 = vector.extract_strided_slice %get3A_412 {offsets = [0, 0, 16], sizes = [16, 50, 1], strides = [1, 1, 1]} : vector<16x50x40xf32> to vector<16x50x1xf32>
    %sub3A_578 = vector.broadcast %get3A_576 : vector<16x1x300xf32> to vector<16x50x300xf32>
    %sub3A_579 = vector.broadcast %slice3A_577 : vector<16x50x1xf32> to vector<16x50x300xf32>
    %sub3A_580 = arith.subf %sub3A_578, %sub3A_579 : vector<16x50x300xf32>
    %abs3A_581 = math.absf %sub3A_580 : vector<16x50x300xf32>
    %add3A_582 = arith.addf %add3A_572, %abs3A_581 : vector<16x50x300xf32>
    %get3A_583 = arith.constant 0 : index
    %get3A_584 = arith.constant 17 : index
    %get3A_585 = arith.constant 0 : index
    %get3A_586 = vector.load %arg6[%get3A_583, %get3A_584, %get3A_585] : memref<16x40x300xf32, #tpu.memory_space<vmem>>, vector<16x1x300xf32>
    %slice3A_587 = vector.extract_strided_slice %get3A_412 {offsets = [0, 0, 17], sizes = [16, 50, 1], strides = [1, 1, 1]} : vector<16x50x40xf32> to vector<16x50x1xf32>
    %sub3A_588 = vector.broadcast %get3A_586 : vector<16x1x300xf32> to vector<16x50x300xf32>
    %sub3A_589 = vector.broadcast %slice3A_587 : vector<16x50x1xf32> to vector<16x50x300xf32>
    %sub3A_590 = arith.subf %sub3A_588, %sub3A_589 : vector<16x50x300xf32>
    %abs3A_591 = math.absf %sub3A_590 : vector<16x50x300xf32>
    %add3A_592 = arith.addf %add3A_582, %abs3A_591 : vector<16x50x300xf32>
    %get3A_593 = arith.constant 0 : index
    %get3A_594 = arith.constant 18 : index
    %get3A_595 = arith.constant 0 : index
    %get3A_596 = vector.load %arg6[%get3A_593, %get3A_594, %get3A_595] : memref<16x40x300xf32, #tpu.memory_space<vmem>>, vector<16x1x300xf32>
    %slice3A_597 = vector.extract_strided_slice %get3A_412 {offsets = [0, 0, 18], sizes = [16, 50, 1], strides = [1, 1, 1]} : vector<16x50x40xf32> to vector<16x50x1xf32>
    %sub3A_598 = vector.broadcast %get3A_596 : vector<16x1x300xf32> to vector<16x50x300xf32>
    %sub3A_599 = vector.broadcast %slice3A_597 : vector<16x50x1xf32> to vector<16x50x300xf32>
    %sub3A_600 = arith.subf %sub3A_598, %sub3A_599 : vector<16x50x300xf32>
    %abs3A_601 = math.absf %sub3A_600 : vector<16x50x300xf32>
    %add3A_602 = arith.addf %add3A_592, %abs3A_601 : vector<16x50x300xf32>
    %get3A_603 = arith.constant 0 : index
    %get3A_604 = arith.constant 19 : index
    %get3A_605 = arith.constant 0 : index
    %get3A_606 = vector.load %arg6[%get3A_603, %get3A_604, %get3A_605] : memref<16x40x300xf32, #tpu.memory_space<vmem>>, vector<16x1x300xf32>
    %slice3A_607 = vector.extract_strided_slice %get3A_412 {offsets = [0, 0, 19], sizes = [16, 50, 1], strides = [1, 1, 1]} : vector<16x50x40xf32> to vector<16x50x1xf32>
    %sub3A_608 = vector.broadcast %get3A_606 : vector<16x1x300xf32> to vector<16x50x300xf32>
    %sub3A_609 = vector.broadcast %slice3A_607 : vector<16x50x1xf32> to vector<16x50x300xf32>
    %sub3A_610 = arith.subf %sub3A_608, %sub3A_609 : vector<16x50x300xf32>
    %abs3A_611 = math.absf %sub3A_610 : vector<16x50x300xf32>
    %add3A_612 = arith.addf %add3A_602, %abs3A_611 : vector<16x50x300xf32>
    %get3A_613 = arith.constant 0 : index
    %get3A_614 = arith.constant 20 : index
    %get3A_615 = arith.constant 0 : index
    %get3A_616 = vector.load %arg6[%get3A_613, %get3A_614, %get3A_615] : memref<16x40x300xf32, #tpu.memory_space<vmem>>, vector<16x1x300xf32>
    %slice3A_617 = vector.extract_strided_slice %get3A_412 {offsets = [0, 0, 20], sizes = [16, 50, 1], strides = [1, 1, 1]} : vector<16x50x40xf32> to vector<16x50x1xf32>
    %sub3A_618 = vector.broadcast %get3A_616 : vector<16x1x300xf32> to vector<16x50x300xf32>
    %sub3A_619 = vector.broadcast %slice3A_617 : vector<16x50x1xf32> to vector<16x50x300xf32>
    %sub3A_620 = arith.subf %sub3A_618, %sub3A_619 : vector<16x50x300xf32>
    %abs3A_621 = math.absf %sub3A_620 : vector<16x50x300xf32>
    %add3A_622 = arith.addf %add3A_612, %abs3A_621 : vector<16x50x300xf32>
    %get3A_623 = arith.constant 0 : index
    %get3A_624 = arith.constant 21 : index
    %get3A_625 = arith.constant 0 : index
    %get3A_626 = vector.load %arg6[%get3A_623, %get3A_624, %get3A_625] : memref<16x40x300xf32, #tpu.memory_space<vmem>>, vector<16x1x300xf32>
    %slice3A_627 = vector.extract_strided_slice %get3A_412 {offsets = [0, 0, 21], sizes = [16, 50, 1], strides = [1, 1, 1]} : vector<16x50x40xf32> to vector<16x50x1xf32>
    %sub3A_628 = vector.broadcast %get3A_626 : vector<16x1x300xf32> to vector<16x50x300xf32>
    %sub3A_629 = vector.broadcast %slice3A_627 : vector<16x50x1xf32> to vector<16x50x300xf32>
    %sub3A_630 = arith.subf %sub3A_628, %sub3A_629 : vector<16x50x300xf32>
    %abs3A_631 = math.absf %sub3A_630 : vector<16x50x300xf32>
    %add3A_632 = arith.addf %add3A_622, %abs3A_631 : vector<16x50x300xf32>
    %get3A_633 = arith.constant 0 : index
    %get3A_634 = arith.constant 22 : index
    %get3A_635 = arith.constant 0 : index
    %get3A_636 = vector.load %arg6[%get3A_633, %get3A_634, %get3A_635] : memref<16x40x300xf32, #tpu.memory_space<vmem>>, vector<16x1x300xf32>
    %slice3A_637 = vector.extract_strided_slice %get3A_412 {offsets = [0, 0, 22], sizes = [16, 50, 1], strides = [1, 1, 1]} : vector<16x50x40xf32> to vector<16x50x1xf32>
    %sub3A_638 = vector.broadcast %get3A_636 : vector<16x1x300xf32> to vector<16x50x300xf32>
    %sub3A_639 = vector.broadcast %slice3A_637 : vector<16x50x1xf32> to vector<16x50x300xf32>
    %sub3A_640 = arith.subf %sub3A_638, %sub3A_639 : vector<16x50x300xf32>
    %abs3A_641 = math.absf %sub3A_640 : vector<16x50x300xf32>
    %add3A_642 = arith.addf %add3A_632, %abs3A_641 : vector<16x50x300xf32>
    %get3A_643 = arith.constant 0 : index
    %get3A_644 = arith.constant 23 : index
    %get3A_645 = arith.constant 0 : index
    %get3A_646 = vector.load %arg6[%get3A_643, %get3A_644, %get3A_645] : memref<16x40x300xf32, #tpu.memory_space<vmem>>, vector<16x1x300xf32>
    %slice3A_647 = vector.extract_strided_slice %get3A_412 {offsets = [0, 0, 23], sizes = [16, 50, 1], strides = [1, 1, 1]} : vector<16x50x40xf32> to vector<16x50x1xf32>
    %sub3A_648 = vector.broadcast %get3A_646 : vector<16x1x300xf32> to vector<16x50x300xf32>
    %sub3A_649 = vector.broadcast %slice3A_647 : vector<16x50x1xf32> to vector<16x50x300xf32>
    %sub3A_650 = arith.subf %sub3A_648, %sub3A_649 : vector<16x50x300xf32>
    %abs3A_651 = math.absf %sub3A_650 : vector<16x50x300xf32>
    %add3A_652 = arith.addf %add3A_642, %abs3A_651 : vector<16x50x300xf32>
    %get3A_653 = arith.constant 0 : index
    %get3A_654 = arith.constant 24 : index
    %get3A_655 = arith.constant 0 : index
    %get3A_656 = vector.load %arg6[%get3A_653, %get3A_654, %get3A_655] : memref<16x40x300xf32, #tpu.memory_space<vmem>>, vector<16x1x300xf32>
    %slice3A_657 = vector.extract_strided_slice %get3A_412 {offsets = [0, 0, 24], sizes = [16, 50, 1], strides = [1, 1, 1]} : vector<16x50x40xf32> to vector<16x50x1xf32>
    %sub3A_658 = vector.broadcast %get3A_656 : vector<16x1x300xf32> to vector<16x50x300xf32>
    %sub3A_659 = vector.broadcast %slice3A_657 : vector<16x50x1xf32> to vector<16x50x300xf32>
    %sub3A_660 = arith.subf %sub3A_658, %sub3A_659 : vector<16x50x300xf32>
    %abs3A_661 = math.absf %sub3A_660 : vector<16x50x300xf32>
    %add3A_662 = arith.addf %add3A_652, %abs3A_661 : vector<16x50x300xf32>
    %get3A_663 = arith.constant 0 : index
    %get3A_664 = arith.constant 25 : index
    %get3A_665 = arith.constant 0 : index
    %get3A_666 = vector.load %arg6[%get3A_663, %get3A_664, %get3A_665] : memref<16x40x300xf32, #tpu.memory_space<vmem>>, vector<16x1x300xf32>
    %slice3A_667 = vector.extract_strided_slice %get3A_412 {offsets = [0, 0, 25], sizes = [16, 50, 1], strides = [1, 1, 1]} : vector<16x50x40xf32> to vector<16x50x1xf32>
    %sub3A_668 = vector.broadcast %get3A_666 : vector<16x1x300xf32> to vector<16x50x300xf32>
    %sub3A_669 = vector.broadcast %slice3A_667 : vector<16x50x1xf32> to vector<16x50x300xf32>
    %sub3A_670 = arith.subf %sub3A_668, %sub3A_669 : vector<16x50x300xf32>
    %abs3A_671 = math.absf %sub3A_670 : vector<16x50x300xf32>
    %add3A_672 = arith.addf %add3A_662, %abs3A_671 : vector<16x50x300xf32>
    %get3A_673 = arith.constant 0 : index
    %get3A_674 = arith.constant 26 : index
    %get3A_675 = arith.constant 0 : index
    %get3A_676 = vector.load %arg6[%get3A_673, %get3A_674, %get3A_675] : memref<16x40x300xf32, #tpu.memory_space<vmem>>, vector<16x1x300xf32>
    %slice3A_677 = vector.extract_strided_slice %get3A_412 {offsets = [0, 0, 26], sizes = [16, 50, 1], strides = [1, 1, 1]} : vector<16x50x40xf32> to vector<16x50x1xf32>
    %sub3A_678 = vector.broadcast %get3A_676 : vector<16x1x300xf32> to vector<16x50x300xf32>
    %sub3A_679 = vector.broadcast %slice3A_677 : vector<16x50x1xf32> to vector<16x50x300xf32>
    %sub3A_680 = arith.subf %sub3A_678, %sub3A_679 : vector<16x50x300xf32>
    %abs3A_681 = math.absf %sub3A_680 : vector<16x50x300xf32>
    %add3A_682 = arith.addf %add3A_672, %abs3A_681 : vector<16x50x300xf32>
    %get3A_683 = arith.constant 0 : index
    %get3A_684 = arith.constant 27 : index
    %get3A_685 = arith.constant 0 : index
    %get3A_686 = vector.load %arg6[%get3A_683, %get3A_684, %get3A_685] : memref<16x40x300xf32, #tpu.memory_space<vmem>>, vector<16x1x300xf32>
    %slice3A_687 = vector.extract_strided_slice %get3A_412 {offsets = [0, 0, 27], sizes = [16, 50, 1], strides = [1, 1, 1]} : vector<16x50x40xf32> to vector<16x50x1xf32>
    %sub3A_688 = vector.broadcast %get3A_686 : vector<16x1x300xf32> to vector<16x50x300xf32>
    %sub3A_689 = vector.broadcast %slice3A_687 : vector<16x50x1xf32> to vector<16x50x300xf32>
    %sub3A_690 = arith.subf %sub3A_688, %sub3A_689 : vector<16x50x300xf32>
    %abs3A_691 = math.absf %sub3A_690 : vector<16x50x300xf32>
    %add3A_692 = arith.addf %add3A_682, %abs3A_691 : vector<16x50x300xf32>
    %get3A_693 = arith.constant 0 : index
    %get3A_694 = arith.constant 28 : index
    %get3A_695 = arith.constant 0 : index
    %get3A_696 = vector.load %arg6[%get3A_693, %get3A_694, %get3A_695] : memref<16x40x300xf32, #tpu.memory_space<vmem>>, vector<16x1x300xf32>
    %slice3A_697 = vector.extract_strided_slice %get3A_412 {offsets = [0, 0, 28], sizes = [16, 50, 1], strides = [1, 1, 1]} : vector<16x50x40xf32> to vector<16x50x1xf32>
    %sub3A_698 = vector.broadcast %get3A_696 : vector<16x1x300xf32> to vector<16x50x300xf32>
    %sub3A_699 = vector.broadcast %slice3A_697 : vector<16x50x1xf32> to vector<16x50x300xf32>
    %sub3A_700 = arith.subf %sub3A_698, %sub3A_699 : vector<16x50x300xf32>
    %abs3A_701 = math.absf %sub3A_700 : vector<16x50x300xf32>
    %add3A_702 = arith.addf %add3A_692, %abs3A_701 : vector<16x50x300xf32>
    %get3A_703 = arith.constant 0 : index
    %get3A_704 = arith.constant 29 : index
    %get3A_705 = arith.constant 0 : index
    %get3A_706 = vector.load %arg6[%get3A_703, %get3A_704, %get3A_705] : memref<16x40x300xf32, #tpu.memory_space<vmem>>, vector<16x1x300xf32>
    %slice3A_707 = vector.extract_strided_slice %get3A_412 {offsets = [0, 0, 29], sizes = [16, 50, 1], strides = [1, 1, 1]} : vector<16x50x40xf32> to vector<16x50x1xf32>
    %sub3A_708 = vector.broadcast %get3A_706 : vector<16x1x300xf32> to vector<16x50x300xf32>
    %sub3A_709 = vector.broadcast %slice3A_707 : vector<16x50x1xf32> to vector<16x50x300xf32>
    %sub3A_710 = arith.subf %sub3A_708, %sub3A_709 : vector<16x50x300xf32>
    %abs3A_711 = math.absf %sub3A_710 : vector<16x50x300xf32>
    %add3A_712 = arith.addf %add3A_702, %abs3A_711 : vector<16x50x300xf32>
    %get3A_713 = arith.constant 0 : index
    %get3A_714 = arith.constant 30 : index
    %get3A_715 = arith.constant 0 : index
    %get3A_716 = vector.load %arg6[%get3A_713, %get3A_714, %get3A_715] : memref<16x40x300xf32, #tpu.memory_space<vmem>>, vector<16x1x300xf32>
    %slice3A_717 = vector.extract_strided_slice %get3A_412 {offsets = [0, 0, 30], sizes = [16, 50, 1], strides = [1, 1, 1]} : vector<16x50x40xf32> to vector<16x50x1xf32>
    %sub3A_718 = vector.broadcast %get3A_716 : vector<16x1x300xf32> to vector<16x50x300xf32>
    %sub3A_719 = vector.broadcast %slice3A_717 : vector<16x50x1xf32> to vector<16x50x300xf32>
    %sub3A_720 = arith.subf %sub3A_718, %sub3A_719 : vector<16x50x300xf32>
    %abs3A_721 = math.absf %sub3A_720 : vector<16x50x300xf32>
    %add3A_722 = arith.addf %add3A_712, %abs3A_721 : vector<16x50x300xf32>
    %get3A_723 = arith.constant 0 : index
    %get3A_724 = arith.constant 31 : index
    %get3A_725 = arith.constant 0 : index
    %get3A_726 = vector.load %arg6[%get3A_723, %get3A_724, %get3A_725] : memref<16x40x300xf32, #tpu.memory_space<vmem>>, vector<16x1x300xf32>
    %slice3A_727 = vector.extract_strided_slice %get3A_412 {offsets = [0, 0, 31], sizes = [16, 50, 1], strides = [1, 1, 1]} : vector<16x50x40xf32> to vector<16x50x1xf32>
    %sub3A_728 = vector.broadcast %get3A_726 : vector<16x1x300xf32> to vector<16x50x300xf32>
    %sub3A_729 = vector.broadcast %slice3A_727 : vector<16x50x1xf32> to vector<16x50x300xf32>
    %sub3A_730 = arith.subf %sub3A_728, %sub3A_729 : vector<16x50x300xf32>
    %abs3A_731 = math.absf %sub3A_730 : vector<16x50x300xf32>
    %add3A_732 = arith.addf %add3A_722, %abs3A_731 : vector<16x50x300xf32>
    %get3A_733 = arith.constant 0 : index
    %get3A_734 = arith.constant 32 : index
    %get3A_735 = arith.constant 0 : index
    %get3A_736 = vector.load %arg6[%get3A_733, %get3A_734, %get3A_735] : memref<16x40x300xf32, #tpu.memory_space<vmem>>, vector<16x1x300xf32>
    %slice3A_737 = vector.extract_strided_slice %get3A_412 {offsets = [0, 0, 32], sizes = [16, 50, 1], strides = [1, 1, 1]} : vector<16x50x40xf32> to vector<16x50x1xf32>
    %sub3A_738 = vector.broadcast %get3A_736 : vector<16x1x300xf32> to vector<16x50x300xf32>
    %sub3A_739 = vector.broadcast %slice3A_737 : vector<16x50x1xf32> to vector<16x50x300xf32>
    %sub3A_740 = arith.subf %sub3A_738, %sub3A_739 : vector<16x50x300xf32>
    %abs3A_741 = math.absf %sub3A_740 : vector<16x50x300xf32>
    %add3A_742 = arith.addf %add3A_732, %abs3A_741 : vector<16x50x300xf32>
    %get3A_743 = arith.constant 0 : index
    %get3A_744 = arith.constant 33 : index
    %get3A_745 = arith.constant 0 : index
    %get3A_746 = vector.load %arg6[%get3A_743, %get3A_744, %get3A_745] : memref<16x40x300xf32, #tpu.memory_space<vmem>>, vector<16x1x300xf32>
    %slice3A_747 = vector.extract_strided_slice %get3A_412 {offsets = [0, 0, 33], sizes = [16, 50, 1], strides = [1, 1, 1]} : vector<16x50x40xf32> to vector<16x50x1xf32>
    %sub3A_748 = vector.broadcast %get3A_746 : vector<16x1x300xf32> to vector<16x50x300xf32>
    %sub3A_749 = vector.broadcast %slice3A_747 : vector<16x50x1xf32> to vector<16x50x300xf32>
    %sub3A_750 = arith.subf %sub3A_748, %sub3A_749 : vector<16x50x300xf32>
    %abs3A_751 = math.absf %sub3A_750 : vector<16x50x300xf32>
    %add3A_752 = arith.addf %add3A_742, %abs3A_751 : vector<16x50x300xf32>
    %get3A_753 = arith.constant 0 : index
    %get3A_754 = arith.constant 34 : index
    %get3A_755 = arith.constant 0 : index
    %get3A_756 = vector.load %arg6[%get3A_753, %get3A_754, %get3A_755] : memref<16x40x300xf32, #tpu.memory_space<vmem>>, vector<16x1x300xf32>
    %slice3A_757 = vector.extract_strided_slice %get3A_412 {offsets = [0, 0, 34], sizes = [16, 50, 1], strides = [1, 1, 1]} : vector<16x50x40xf32> to vector<16x50x1xf32>
    %sub3A_758 = vector.broadcast %get3A_756 : vector<16x1x300xf32> to vector<16x50x300xf32>
    %sub3A_759 = vector.broadcast %slice3A_757 : vector<16x50x1xf32> to vector<16x50x300xf32>
    %sub3A_760 = arith.subf %sub3A_758, %sub3A_759 : vector<16x50x300xf32>
    %abs3A_761 = math.absf %sub3A_760 : vector<16x50x300xf32>
    %add3A_762 = arith.addf %add3A_752, %abs3A_761 : vector<16x50x300xf32>
    %get3A_763 = arith.constant 0 : index
    %get3A_764 = arith.constant 35 : index
    %get3A_765 = arith.constant 0 : index
    %get3A_766 = vector.load %arg6[%get3A_763, %get3A_764, %get3A_765] : memref<16x40x300xf32, #tpu.memory_space<vmem>>, vector<16x1x300xf32>
    %slice3A_767 = vector.extract_strided_slice %get3A_412 {offsets = [0, 0, 35], sizes = [16, 50, 1], strides = [1, 1, 1]} : vector<16x50x40xf32> to vector<16x50x1xf32>
    %sub3A_768 = vector.broadcast %get3A_766 : vector<16x1x300xf32> to vector<16x50x300xf32>
    %sub3A_769 = vector.broadcast %slice3A_767 : vector<16x50x1xf32> to vector<16x50x300xf32>
    %sub3A_770 = arith.subf %sub3A_768, %sub3A_769 : vector<16x50x300xf32>
    %abs3A_771 = math.absf %sub3A_770 : vector<16x50x300xf32>
    %add3A_772 = arith.addf %add3A_762, %abs3A_771 : vector<16x50x300xf32>
    %get3A_773 = arith.constant 0 : index
    %get3A_774 = arith.constant 36 : index
    %get3A_775 = arith.constant 0 : index
    %get3A_776 = vector.load %arg6[%get3A_773, %get3A_774, %get3A_775] : memref<16x40x300xf32, #tpu.memory_space<vmem>>, vector<16x1x300xf32>
    %slice3A_777 = vector.extract_strided_slice %get3A_412 {offsets = [0, 0, 36], sizes = [16, 50, 1], strides = [1, 1, 1]} : vector<16x50x40xf32> to vector<16x50x1xf32>
    %sub3A_778 = vector.broadcast %get3A_776 : vector<16x1x300xf32> to vector<16x50x300xf32>
    %sub3A_779 = vector.broadcast %slice3A_777 : vector<16x50x1xf32> to vector<16x50x300xf32>
    %sub3A_780 = arith.subf %sub3A_778, %sub3A_779 : vector<16x50x300xf32>
    %abs3A_781 = math.absf %sub3A_780 : vector<16x50x300xf32>
    %add3A_782 = arith.addf %add3A_772, %abs3A_781 : vector<16x50x300xf32>
    %get3A_783 = arith.constant 0 : index
    %get3A_784 = arith.constant 37 : index
    %get3A_785 = arith.constant 0 : index
    %get3A_786 = vector.load %arg6[%get3A_783, %get3A_784, %get3A_785] : memref<16x40x300xf32, #tpu.memory_space<vmem>>, vector<16x1x300xf32>
    %slice3A_787 = vector.extract_strided_slice %get3A_412 {offsets = [0, 0, 37], sizes = [16, 50, 1], strides = [1, 1, 1]} : vector<16x50x40xf32> to vector<16x50x1xf32>
    %sub3A_788 = vector.broadcast %get3A_786 : vector<16x1x300xf32> to vector<16x50x300xf32>
    %sub3A_789 = vector.broadcast %slice3A_787 : vector<16x50x1xf32> to vector<16x50x300xf32>
    %sub3A_790 = arith.subf %sub3A_788, %sub3A_789 : vector<16x50x300xf32>
    %abs3A_791 = math.absf %sub3A_790 : vector<16x50x300xf32>
    %add3A_792 = arith.addf %add3A_782, %abs3A_791 : vector<16x50x300xf32>
    %get3A_793 = arith.constant 0 : index
    %get3A_794 = arith.constant 38 : index
    %get3A_795 = arith.constant 0 : index
    %get3A_796 = vector.load %arg6[%get3A_793, %get3A_794, %get3A_795] : memref<16x40x300xf32, #tpu.memory_space<vmem>>, vector<16x1x300xf32>
    %slice3A_797 = vector.extract_strided_slice %get3A_412 {offsets = [0, 0, 38], sizes = [16, 50, 1], strides = [1, 1, 1]} : vector<16x50x40xf32> to vector<16x50x1xf32>
    %sub3A_798 = vector.broadcast %get3A_796 : vector<16x1x300xf32> to vector<16x50x300xf32>
    %sub3A_799 = vector.broadcast %slice3A_797 : vector<16x50x1xf32> to vector<16x50x300xf32>
    %sub3A_800 = arith.subf %sub3A_798, %sub3A_799 : vector<16x50x300xf32>
    %abs3A_801 = math.absf %sub3A_800 : vector<16x50x300xf32>
    %add3A_802 = arith.addf %add3A_792, %abs3A_801 : vector<16x50x300xf32>
    %get3A_803 = arith.constant 0 : index
    %get3A_804 = arith.constant 39 : index
    %get3A_805 = arith.constant 0 : index
    %get3A_806 = vector.load %arg6[%get3A_803, %get3A_804, %get3A_805] : memref<16x40x300xf32, #tpu.memory_space<vmem>>, vector<16x1x300xf32>
    %slice3A_807 = vector.extract_strided_slice %get3A_412 {offsets = [0, 0, 39], sizes = [16, 50, 1], strides = [1, 1, 1]} : vector<16x50x40xf32> to vector<16x50x1xf32>
    %sub3A_808 = vector.broadcast %get3A_806 : vector<16x1x300xf32> to vector<16x50x300xf32>
    %sub3A_809 = vector.broadcast %slice3A_807 : vector<16x50x1xf32> to vector<16x50x300xf32>
    %sub3A_810 = arith.subf %sub3A_808, %sub3A_809 : vector<16x50x300xf32>
    %abs3A_811 = math.absf %sub3A_810 : vector<16x50x300xf32>
    %add3A_812 = arith.addf %add3A_802, %abs3A_811 : vector<16x50x300xf32>
    %mul3A = arith.constant 5.000000e+00 : f32
    %mul3A_813 = vector.broadcast %mul3A : f32 to vector<16x50x300xf32>
    %mul3A_814 = arith.mulf %mul3A_813, %add3A_812 : vector<16x50x300xf32>
    %add3A_815 = arith.addf %neg3A_228, %mul3A_814 : vector<16x50x300xf32>
    %swap3A_816 = arith.constant 0 : index
    %swap3A_817 = arith.constant 0 : index
    %swap3A_818 = arith.constant 0 : index
    %swap3A_819 = arith.constant 0 : index
    %swap3A_820 = vector.load %arg4[%swap3A_816, %swap3A_817, %swap3A_818, %swap3A_819] : memref<2x16x51x304xf32, #tpu.memory_space<vmem>>, vector<1x16x50x300xf32>
    %swap3A_821 = vector.shape_cast %swap3A_820 : vector<1x16x50x300xf32> to vector<16x50x300xf32>
    %swap3A_822 = vector.shape_cast %add3A_815 : vector<16x50x300xf32> to vector<1x16x50x300xf32>
    tpu.vector_store %arg4[%swap3A_816, %swap3A_817, %swap3A_818, %swap3A_819], %swap3A_822 {strides = array<i32>} : memref<2x16x51x304xf32, #tpu.memory_space<vmem>>, vector<1x16x50x300xf32>,
    %broadcast_in_dim3A_823 = arith.constant 0x7F800000 : f32
    %broadcast_in_dim3A_824 = vector.broadcast %broadcast_in_dim3A_823 : f32 to vector<16x50x4xf32>
    %swap3A_825 = arith.constant 0 : index
    %swap3A_826 = arith.constant 0 : index
    %swap3A_827 = arith.constant 0 : index
    %swap3A_828 = arith.constant 300 : index
    %swap3A_829 = vector.load %arg4[%swap3A_825, %swap3A_826, %swap3A_827, %swap3A_828] : memref<2x16x51x304xf32, #tpu.memory_space<vmem>>, vector<1x16x50x4xf32>
    %swap3A_830 = vector.shape_cast %swap3A_829 : vector<1x16x50x4xf32> to vector<16x50x4xf32>
    %swap3A_831 = vector.shape_cast %broadcast_in_dim3A_824 : vector<16x50x4xf32> to vector<1x16x50x4xf32>
    tpu.vector_store %arg4[%swap3A_825, %swap3A_826, %swap3A_827, %swap3A_828], %swap3A_831 {strides = array<i32>} : memref<2x16x51x304xf32, #tpu.memory_space<vmem>>, vector<1x16x50x4xf32>,
    %broadcast_in_dim3A_832 = arith.constant 0x7F800000 : f32
    %broadcast_in_dim3A_833 = vector.broadcast %broadcast_in_dim3A_832 : f32 to vector<16x1x304xf32>
    %swap3A_834 = arith.constant 0 : index
    %swap3A_835 = arith.constant 0 : index
    %swap3A_836 = arith.constant 50 : index
    %swap3A_837 = arith.constant 0 : index
    %swap3A_838 = vector.load %arg4[%swap3A_834, %swap3A_835, %swap3A_836, %swap3A_837] : memref<2x16x51x304xf32, #tpu.memory_space<vmem>>, vector<1x16x1x304xf32>
    %swap3A_839 = vector.shape_cast %swap3A_838 : vector<1x16x1x304xf32> to vector<16x1x304xf32>
    %swap3A_840 = vector.shape_cast %broadcast_in_dim3A_833 : vector<16x1x304xf32> to vector<1x16x1x304xf32>
    tpu.vector_store %arg4[%swap3A_834, %swap3A_835, %swap3A_836, %swap3A_837], %swap3A_840 {strides = array<i32>} : memref<2x16x51x304xf32, #tpu.memory_space<vmem>>, vector<1x16x1x304xf32>,
    %swap3A_841 = arith.constant 1 : index
    %swap3A_842 = arith.constant 0 : index
    %swap3A_843 = arith.constant 0 : index
    %swap3A_844 = arith.constant 0 : index
    %swap3A_845 = vector.load %arg4[%swap3A_841, %swap3A_842, %swap3A_843, %swap3A_844] : memref<2x16x51x304xf32, #tpu.memory_space<vmem>>, vector<1x16x50x300xf32>
    %swap3A_846 = vector.shape_cast %swap3A_845 : vector<1x16x50x300xf32> to vector<16x50x300xf32>
    %swap3A_847 = vector.shape_cast %sub3A_231 : vector<16x50x300xf32> to vector<1x16x50x300xf32>
    tpu.vector_store %arg4[%swap3A_841, %swap3A_842, %swap3A_843, %swap3A_844], %swap3A_847 {strides = array<i32>} : memref<2x16x51x304xf32, #tpu.memory_space<vmem>>, vector<1x16x50x300xf32>,
    %broadcast_in_dim3A_848 = arith.constant 0.000000e+00 : f32
    %broadcast_in_dim3A_849 = vector.broadcast %broadcast_in_dim3A_848 : f32 to vector<16x50x4xf32>
    %swap3A_850 = arith.constant 1 : index
    %swap3A_851 = arith.constant 0 : index
    %swap3A_852 = arith.constant 0 : index
    %swap3A_853 = arith.constant 300 : index
    %swap3A_854 = vector.load %arg4[%swap3A_850, %swap3A_851, %swap3A_852, %swap3A_853] : memref<2x16x51x304xf32, #tpu.memory_space<vmem>>, vector<1x16x50x4xf32>
    %swap3A_855 = vector.shape_cast %swap3A_854 : vector<1x16x50x4xf32> to vector<16x50x4xf32>
    %swap3A_856 = vector.shape_cast %broadcast_in_dim3A_849 : vector<16x50x4xf32> to vector<1x16x50x4xf32>
    tpu.vector_store %arg4[%swap3A_850, %swap3A_851, %swap3A_852, %swap3A_853], %swap3A_856 {strides = array<i32>} : memref<2x16x51x304xf32, #tpu.memory_space<vmem>>, vector<1x16x50x4xf32>,
    %swap3A_857 = arith.constant 1 : index
    %swap3A_858 = arith.constant 0 : index
    %swap3A_859 = arith.constant 50 : index
    %swap3A_860 = arith.constant 0 : index
    %swap3A_861 = vector.load %arg4[%swap3A_857, %swap3A_858, %swap3A_859, %swap3A_860] : memref<2x16x51x304xf32, #tpu.memory_space<vmem>>, vector<1x16x1x300xf32>
    %swap3A_862 = vector.shape_cast %swap3A_861 : vector<1x16x1x300xf32> to vector<16x1x300xf32>
    %swap3A_863 = vector.shape_cast %sub3A_233 : vector<16x1x300xf32> to vector<1x16x1x300xf32>
    tpu.vector_store %arg4[%swap3A_857, %swap3A_858, %swap3A_859, %swap3A_860], %swap3A_863 {strides = array<i32>} : memref<2x16x51x304xf32, #tpu.memory_space<vmem>>, vector<1x16x1x300xf32>,
    %broadcast_in_dim3A_864 = arith.constant 0.000000e+00 : f32
    %broadcast_in_dim3A_865 = vector.broadcast %broadcast_in_dim3A_864 : f32 to vector<16x1x4xf32>
    %swap3A_866 = arith.constant 1 : index
    %swap3A_867 = arith.constant 0 : index
    %swap3A_868 = arith.constant 50 : index
    %swap3A_869 = arith.constant 300 : index
    %swap3A_870 = vector.load %arg4[%swap3A_866, %swap3A_867, %swap3A_868, %swap3A_869] : memref<2x16x51x304xf32, #tpu.memory_space<vmem>>, vector<1x16x1x4xf32>
    %swap3A_871 = vector.shape_cast %swap3A_870 : vector<1x16x1x4xf32> to vector<16x1x4xf32>
    %swap3A_872 = vector.shape_cast %broadcast_in_dim3A_865 : vector<16x1x4xf32> to vector<1x16x1x4xf32>
    tpu.vector_store %arg4[%swap3A_866, %swap3A_867, %swap3A_868, %swap3A_869], %swap3A_872 {strides = array<i32>} : memref<2x16x51x304xf32, #tpu.memory_space<vmem>>, vector<1x16x1x4xf32>,
    %reshape3A = vector.broadcast %neg3A_239 : f32 to vector<1x1x1x1xf32>
    %swap3A_873 = arith.constant 1 : index
    %swap3A_874 = arith.constant 0 : index
    %swap3A_875 = arith.constant 50 : index
    %swap3A_876 = arith.constant 303 : index
    %swap3A_877 = vector.load %arg4[%swap3A_873, %swap3A_874, %swap3A_875, %swap3A_876] : memref<2x16x51x304xf32, #tpu.memory_space<vmem>>, vector<1x1x1x1xf32>
    tpu.vector_store %arg4[%swap3A_873, %swap3A_874, %swap3A_875, %swap3A_876], %reshape3A {strides = array<i32>} : memref<2x16x51x304xf32, #tpu.memory_space<vmem>>, vector<1x1x1x1xf32>,
    return
  }
}

</mosaic_0001>

<sc_bundles>
// kernel: kernel.4.cloned.1.call-start
scs
__scs_entry_jumppad:
0x0: {  	(pc) =	sbr.rel $0x88, $3  }
0x1: {  	(tag) =	ssettag $0x0;
	lr =	simm.s32 $0x1  }
0x2: {  	[smem:$0x3F9D] =	sst lr;
	_ =	strace $0xD0000000  }
0x3: {  	_ = 	snop  }
0x4: {  	_ = 	snop  }
0x5: {  	_ = 	snop  }
0x6: {  	_ = 	snop  }
0x7: {  	_ = 	snop  }
__scs_overlays_trampoline_lowered:
0x8: {  	[smem:$0x3FAC] =	sst s0  }
0x9: {  	[smem:$0x3FAD] =	sst s1  }
0xa: {  	[smem:$0x3FAE] =	sst s2  }
0xb: {  	[smem:$0x3FAF] =	sst s3  }
0xc: {  	[smem:$0x3FB0] =	sst s4  }
0xd: {  	[smem:$0x3FB1] =	sst s5  }
0xe: {  	[smem:$0x3FB2] =	sst s6  }
0xf: {  	[smem:$0x3FB3] =	sst s7  }
0x10: {  	[smem:$0x3FB4] =	sst s8  }
0x11: {  	[smem:$0x3FB5] =	sst s9;
	s0 =	simm.s32 @!p0 $0x0  }
0x12: {  	s1 =	sld [smem:$0x3F9B];
	s0 =	simm.s32 @p0 $0x1  }
0x13: {  	[smem:$0x3FB6] =	sst s0;
	s0 =	simm.s32 @!p1 $0x0  }
0x14: {  	s2 =	sld [smem:$0x3F9A];
	s0 =	simm.s32 @p1 $0x1  }
0x15: {  	[smem:$0x3FB7] =	sst s0;
	s0 =	simm.s32 @!p2 $0x0  }
0x16: {  	s3 =	sld [smem:$0x3FDB];
	s0 =	simm.s32 @p2 $0x1  }
0x17: {  	s4 =	simm.s32 $0x1BF5;
	[smem:$0x3FB9] =	sst s0  }
0x18: {  	s0 =	sld [smem:$0x3F9C];
	_ =	swait.ge [sflag:s4], $0x0  }
0x19: {  	s7 =	sld [smem:$0x3F9D]  }
0x1a: {  	s8 =	sadd.s32 $0xFFFFE003, lr  }
0x1b: {  	s9 =	sadd.s32 $0xFFFFFEF7, lr;
	s5 =	simm.s32 $0xFFFFFFFF;
	p2 =	slt.u32 s8, $0xFFFFF086  }
0x1c: {  	p1 =	slt.u32 s9, $0xF7A;
	s5 =	simm.s32 @!p2 $0x0  }
0x1d: {  	s5 =	simm.s32 @p1 $0x1;
	p0 =	seq.s32 s7, s2  }
0x1e: {  	s7 =	smul.u32 @!p0 $0xF7A, s2;
	p2 =	seq.s32 @!p0 s5, $0x0  }
0x1f: {  	s9 =	smul.u32 $0xF7A, s1;
	s8 =	simm.s32 @!p0 $0x1BF5;
	p2 =	por !p2, p0  }
0x20: {  	[sflag:s8] =	ssyncset.s32 @!p0 $0xFFFFF086;
	s6 =	sadd.s32 @!p0 s3, s7;
	s7 =	simm.s32 @!p0 $0x108  }
0x21: {  	s3 =	sadd.s32 s3, s9;
	s6 =	sadd.s32 @!p0 $0x88, s6;
	s7 =	simm.s32 @p2 $0x1082  }
0x22: {  	[simem:s7], [sflag:s8] =	dma.local @!p0 [hbm:s6], $0xF7A  }
0x23: {  	s9 =	sor.u32 $0xD0000000, s2;
	s6 =	simm.s32 $0x108;
	_ =	swait.ge @!p0 [sflag:s8], $0x0  }
0x24: {  	s3 =	sadd.s32 $0x88, s3;
	s6 =	simm.s32 @!p1 $0x1082;
	[sflag:s4] =	ssyncset.s32 $0xFFFFF086  }
0x25: {  	[simem:s6], [sflag:s4] =	dma.local [hbm:s3], $0xF7A  }
0x26: {  	[smem:$0x3F9D] =	sst s1;
	(tag) =	ssettag s2;
	_ =	strace s9  }
0x27: {  	s1 =	sld [smem:$0x3FAD]  }
0x28: {  	s2 =	sld [smem:$0x3FAE]  }
0x29: {  	s4 =	sld [smem:$0x3FB0]  }
0x2a: {  	p0 =	seq.s32 s5, $0x0;
	s5 =	sld [smem:$0x3FB1]  }
0x2b: {  	s6 =	sld [smem:$0x3FB2]  }
0x2c: {  	s7 =	sld [smem:$0x3FB3]  }
0x2d: {  	s3 =	simm.s32 $0x108;
	s8 =	sld [smem:$0x3FB4]  }
0x2e: {  	s3 =	simm.s32 @!p0 $0x1082;
	s9 =	sld [smem:$0x3FB5]  }
0x2f: {  	lr =	sadd.s32 s0, s3;
	s0 =	sld [smem:$0x3FAC]  }
0x30: {  	s3 =	sld [smem:$0x3FAF]  }
0x31: {  	[smem:$0x3FB8] =	sst s10  }
0x32: {  	s10 =	sld [smem:$0x3FB6];
	_ =	sdelay $0x3  }
0x33: {  	p0 =	seq.s32 s10, $0x1;
	s10 =	sld [smem:$0x3FB8];
	_ =	sdelay $0x3  }
0x34: {  	[smem:$0x3FB8] =	sst s10  }
0x35: {  	s10 =	sld [smem:$0x3FB7];
	_ =	sdelay $0x3  }
0x36: {  	p1 =	seq.s32 s10, $0x1;
	s10 =	sld [smem:$0x3FB8];
	_ =	sdelay $0x3  }
0x37: {  	[smem:$0x3FB8] =	sst s10  }
0x38: {  	s10 =	sld [smem:$0x3FB9]  }
0x39: {  	_ = 	snop;
	(pc) =	sbr.ind lr, $3  }
0x3a: {  	_ = 	snop  }
0x3b: {  	_ = 	snop  }
0x3c: {  	p2 =	seq.s32 s10, $0x1;
	s10 =	sld [smem:$0x3FB8]  }
0x3d: {  	_ =	shalt  }
0x3e: {  	_ =	shalt  }
0x3f: {  	_ =	shalt  }
0x40: {  	_ =	shalt  }
0x41: {  	_ =	shalt  }
0x42: {  	_ =	shalt  }
0x43: {  	_ =	shalt  }
0x44: {  	_ =	shalt  }
0x45: {  	_ =	shalt  }
0x46: {  	_ =	shalt  }
0x47: {  	_ =	shalt  }
0x48: {  	_ =	shalt  }
0x49: {  	_ =	shalt  }
0x4a: {  	_ =	shalt  }
0x4b: {  	_ =	shalt  }
0x4c: {  	_ =	shalt  }
0x4d: {  	_ =	shalt  }
0x4e: {  	_ =	shalt  }
0x4f: {  	_ =	shalt  }
0x50: {  	_ =	shalt  }
0x51: {  	_ =	shalt  }
0x52: {  	_ =	shalt  }
0x53: {  	_ =	shalt  }
0x54: {  	_ =	shalt  }
0x55: {  	_ =	shalt  }
0x56: {  	_ =	shalt  }
0x57: {  	_ =	shalt  }
0x58: {  	_ =	shalt  }
0x59: {  	_ =	shalt  }
0x5a: {  	_ =	shalt  }
0x5b: {  	_ =	shalt  }
0x5c: {  	_ =	shalt  }
0x5d: {  	_ =	shalt  }
0x5e: {  	_ =	shalt  }
0x5f: {  	_ =	shalt  }
0x60: {  	_ =	shalt  }
0x61: {  	_ =	shalt  }
0x62: {  	_ =	shalt  }
0x63: {  	_ =	shalt  }
0x64: {  	_ =	shalt  }
0x65: {  	_ =	shalt  }
0x66: {  	_ =	shalt  }
0x67: {  	_ =	shalt  }
0x68: {  	_ =	shalt  }
0x69: {  	_ =	shalt  }
0x6a: {  	_ =	shalt  }
0x6b: {  	_ =	shalt  }
0x6c: {  	_ =	shalt  }
0x6d: {  	_ =	shalt  }
0x6e: {  	_ =	shalt  }
0x6f: {  	_ =	shalt  }
0x70: {  	_ =	shalt  }
0x71: {  	_ =	shalt  }
0x72: {  	_ =	shalt  }
0x73: {  	_ =	shalt  }
0x74: {  	_ =	shalt  }
0x75: {  	_ =	shalt  }
0x76: {  	_ =	shalt  }
0x77: {  	_ =	shalt  }
0x78: {  	_ =	shalt  }
0x79: {  	_ =	shalt  }
0x7a: {  	_ =	shalt  }
0x7b: {  	_ =	shalt  }
0x7c: {  	_ =	shalt  }
0x7d: {  	_ =	shalt  }
0x7e: {  	_ =	shalt  }
0x7f: {  	_ =	shalt  }
0x80: {  	_ =	shalt  }
0x81: {  	_ =	shalt  }
0x82: {  	_ =	shalt  }
0x83: {  	_ =	shalt  }
0x84: {  	_ =	shalt  }
0x85: {  	_ =	shalt  }
0x86: {  	_ =	shalt  }
0x87: {  	_ =	shalt  }
.Lfunc_end0:
.L_simem_size_0:
called_computation_lowered:
.L_overlay_start_0:
0x88: {  	s0 =	sld [smem:$0x3FD9]  }
0x89: {  	s1 =	sld [smem:$0x3FFE];
	_ =	sdelay $0x3  }
0x8a: {  	s0 =	sadd.s32 s1, s0  }
0x8b: {  	[smem:$0x3FC4] =	sst s0  }
0x8c: {  	_ = 	snop  }
0x8d: {  	s0 =	sld [smem:$0x3FD0];
	(tm) =	ssettm $0x1  }
0x8e: {  	s16 =	sld [smem:$0x3FFB];
	_ =	sdelay $0x3  }
0x8f: {  	_ =	strace s16  }
0x90: {  	s1 =	sld [smem:$0x3FFC];
	_ =	sdelay $0x3  }
0x91: {  	_ =	strace s1  }
0x92: {  	s1 =	sld [smem:$0x3FFD];
	_ =	sdelay $0x3  }
0x93: {  	_ =	strace s1  }
0x94: {  	_ =	strace $0x8FFFFFFF  }
0x95: {  	s17 =	sld [smem:$0x3FDB];
	_ =	sdelay $0x1  }
0x96: {  	s2 =	simm.s32 $_scs_section_size  }
0x97: {  	s3 =	simm.s32 $_size__tile_overlayer_lowered;
	s4 =	simm.s32 $_tile_overlayer_lowered  }
0x98: {  	s20 =	simm.s32 $0x1BFF;
	s19 =	sshll.u32 s4, $0x1;
	s1 =	sadd.s32 s2, s17  }
0x99: {  	s5 =	simm.s32 $0x0;
	s18 =	sshll.u32 s3, $0x1;
	s3 =	sadd.s32 s19, s1  }
0x9a: {  	[timem:s5], [sflag:s20] =	dma.local [hbm:s3], s18  }
0x9b: {  	_ =	swait.ge [sflag:s20], s18  }
0x9c: {  	s2 =	ssub.s32 $0x0, s18;
	[sflag:s20] =	ssyncset.done $0x0  }
0x9d: {  	[sflag:s20] =	ssyncadd.s32 s2;
	_ =	sdelay $0x1  }
0x9e: {  	s21 =	simm.s32 $0x1B8B  }
0x9f: {  	_ =	swait.ge [sflag:s21], $0x1  }
0xa0: {  	[sflag:s21] =	ssyncset.done $0x0  }
0xa1: {  	s23 =	simm.s32 $0x1B8E;
	s22 =	sld [smem:$0x3FFE];
	[sflag:s21] =	ssyncadd.s32 $0xFFFFFFFF  }
0xa2: {  	s24 =	simm.s32 $execute0_lowered;
	[smem:$0x3FD2] =	sst s23  }
0xa3: {  	s3 =	sshll.u32 s24, $0x1;
	_ =	strace $0x80000046;
	[dreg:$0x1] =	wrdreg $0xFFFFFFFF  }
0xa4: {  	s25 =	simm.s32 $_size_execute0_lowered;
	s1 =	sadd.s32 s1, s3;
	[dreg:$0x0] =	wrdreg $0x0  }
0xa5: {  	s3 =	sshll.u32 s25, $0x1;
	[dreg:$0x2] =	wrdreg s1  }
0xa6: {  	[dreg:$0x3] =	wrdreg s3  }
0xa7: {  	[dreg:$0x4] =	wrdreg $0xC0  }
0xa8: {  	_ =	task [dreg:s5], $0x5FFFF  }
0xa9: {  	[dreg:$0x1] =	wrdreg $0xFFFFFFFF  }
0xaa: {  	[dreg:$0x0] =	wrdreg $0x60  }
0xab: {  	[dreg:$0x2] =	wrdreg s22  }
0xac: {  	[dreg:$0x3] =	wrdreg s0  }
0xad: {  	[dreg:$0x4] =	wrdreg $0x9  }
0xae: {  	_ =	task.clear_ibuf [dreg:s5], $0x5FFFF;
	_ =	strace $0x90000046  }
0xaf: {  	s26 =	simm.s32 $0x9;
	_ =	strace $0x80000048  }
0xb0: {  	_ =	swait.ge [sflag:s26], $0x1  }
0xb1: {  	[sflag:s26] =	ssyncadd.s32 $0xFFFFFFFF  }
0xb2: {  	_ =	strace $0x90000048  }
0xb3: {  	_ =	sfence  }
0xb4: {  	s28 =	sld [smem:$0x0];
	_ =	sdelay $0x1  }
0xb5: {  	s29 =	srdreg.scid  }
0xb6: {  	s30 =	sshll.u32 s29, $0xD;
	s31 =	sshrl.u32 s29, $0x2  }
0xb7: {  	s2 =	sand.u32 $0x4000, s30;
	s1 =	sand.u32 $0x1, s29;
	s0 =	sadd.s32 s31, s28  }
0xb8: {  	s1 =	sor.u32 s2, s1;
	s0 =	sshll.u32 s0, $0x11  }
0xb9: {  	s0 =	sor.u32 s0, s1  }
0xba: {  	s0 =	sadd.s32 $0x8F2B, s0  }
0xbb: {  	[sflag:s0] =	ssyncadd.remote.s32 $0x1  }
0xbc: {  	_ =	sfence.sel $0xFFFF  }
0xbd: {  	[dreg:$0x0] =	wrdreg $0xFFFFFFFF;
	(pc) =	sbr.abs _section_cstart, $3  }
0xbe: {  	[dreg:$0x1] =	wrdreg $0xFFFFFFFF  }
0xbf: {  	_ =	task.clear_ibuf [dreg:s5], $0x2FFFF;
	_ =	strace $0x9FFFFFFF  }
0xc0: {  	(tm) =	ssettm $0x7FFFFFFF  }
0xc1: {  	_ =	shalt  }
tec
execute0_lowered:
.L_overlay_start_1:
0x0: {  	(tag) =	ssettag $0x1  }
0x1: {  	s2 =	stileid.u32  }
0x2: {  	s3 =	smul.u32 $0x5400, s2  }
0x3: {  	s5 =	rddreg [dreg:$0x0]  }
0x4: {  	s1 =	rddreg [dreg:$0x1];
	s6 =	simm.s32 $0x0;
	s3 =	sshrl.u32 s3, $0x3  }
0x5: {  	[smem:$0x7FF] =	sst s6;
	s3 =	sadd.s32 s3, s5  }
0x6: {  	s0 =	rddreg [dreg:$0x2];
	_ =	strace $0x80000047;
	s4 =	sadd.s32 $0xE00, s3  }
0x7: {  	[tilespmem:s6], [sflag:$0x1] =	stream.linear.gather [hbm4b:s4+s6], $0x5400, $0x38;
	[tilespmem:$0xA980] =	vst v63  }
0x8: {  	s30 =	simm.s32 $0x5400;
	s3 =	sadd.s32 $0xB600, s3  }
0x9: {  	[tilespmem:s30], [sflag:$0x2] =	stream.linear.gather [hbm4b:s3+s6], $0x5400, $0x38;
	[tilespmem:$0xA980] =	vst v63  }
0xa: {  	s3 =	simm.s32 $0x1  }
0xb: {  	_ =	swait.ge [sflag:s3], $0x5400  }
0xc: {  	[sflag:s3] =	ssyncset.done $0x0  }
0xd: {  	s31 =	simm.s32 $0x2;
	s7 =	simm.s32 $0x0;
	[sflag:s3] =	ssyncadd.s32 $0xFFFFAC00  }
0xe: {  	s7 =	smul.u32 $0xC00, s7;
	_ =	swait.ge [sflag:s31], $0x5400  }
0xf: {  	s8 =	sand.u32 $0x380, s6;
	[sflag:s31] =	ssyncset.done $0x0  }
0x10: {  	s4 =	sor.u32 s8, s7;
	[sflag:s31] =	ssyncadd.s32 $0xFFFFAC00  }
0x11: {  	v0 =	vld [tilespmem:s4+$0x0];
	_ =	sdelay $0x2  }
0x12: {  	v1 =	vld [tilespmem:s4+$0x10]  }
0x13: {  	v23 =	vimm.f32 $0.0e+00  }
0x14: {  	v2 =	vld [tilespmem:s4+$0x20];
	v0 =	vadd.f32 v0, v23;
	_ =	sdelay $0x1  }
0x15: {  	v3 =	vld [tilespmem:s4+$0x30];
	vm0 =	vlt.f32 v0, $+Inf;
	vm1 =	vgt.f32 v0, $+Inf  }
0x16: {  	v1 =	vadd.f32 v1, v23;
	vm0 =	vmor vm1, vm0  }
0x17: {  	v4 =	vld [tilespmem:s4+$0x40];
	v0 =	vnsel vm0, $0x7F800000, v0  }
0x18: {  	v2 =	vadd.f32 v2, v23;
	vm1 =	vlt.f32 v1, v0  }
0x19: {  	v0 =	vsel vm1, v1, v0;
	v1 =	vld [tilespmem:s4+$0x50]  }
0x1a: {  	v3 =	vadd.f32 v3, v23;
	vm2 =	vlt.f32 v2, v0  }
0x1b: {  	v0 =	vsel vm2, v2, v0;
	v2 =	vld [tilespmem:s4+$0x60]  }
0x1c: {  	v4 =	vadd.f32 v4, v23;
	vm3 =	vlt.f32 v3, v0  }
0x1d: {  	v0 =	vsel vm3, v3, v0;
	v3 =	vld [tilespmem:s4+$0x70]  }
0x1e: {  	vm4 =	vlt.f32 v4, v0;
	v1 =	vadd.f32 v1, v23  }
0x1f: {  	v0 =	vsel vm4, v4, v0;
	v4 =	vld [tilespmem:s4+$0x400]  }
0x20: {  	vm5 =	vlt.f32 v1, v0;
	v2 =	vadd.f32 v2, v23  }
0x21: {  	v0 =	vsel vm5, v1, v0;
	v1 =	vld [tilespmem:s4+$0x410]  }
0x22: {  	vm6 =	vlt.f32 v2, v0;
	v3 =	vadd.f32 v3, v23  }
0x23: {  	v0 =	vsel vm6, v2, v0;
	v2 =	vld [tilespmem:s4+$0x420]  }
0x24: {  	vm7 =	vlt.f32 v3, v0;
	v4 =	vadd.f32 v4, v23  }
0x25: {  	v0 =	vsel vm7, v3, v0;
	v3 =	vld [tilespmem:s4+$0x430]  }
0x26: {  	vm8 =	vlt.f32 v4, v0;
	v1 =	vadd.f32 v1, v23  }
0x27: {  	v0 =	vsel vm8, v4, v0;
	v4 =	vld [tilespmem:s4+$0x440]  }
0x28: {  	v5 =	vld [tilespmem:s4+$0x470];
	vm9 =	vlt.f32 v1, v0;
	v2 =	vadd.f32 v2, v23  }
0x29: {  	v0 =	vsel vm9, v1, v0;
	v1 =	vld [tilespmem:s4+$0x450]  }
0x2a: {  	v8 =	vld [tilespmem:s4+$0x800];
	vm10 =	vlt.f32 v2, v0;
	v3 =	vadd.f32 v3, v23  }
0x2b: {  	v0 =	vsel vm10, v2, v0;
	v2 =	vld [tilespmem:s4+$0x460]  }
0x2c: {  	v10 =	vld [tilespmem:s4+$0x810];
	vm11 =	vlt.f32 v3, v0;
	v4 =	vadd.f32 v4, v23  }
0x2d: {  	v11 =	vld [tilespmem:s4+$0x820];
	v3 =	vsel vm11, v3, v0  }
0x2e: {  	vm12 =	vlt.f32 v4, v3;
	v1 =	vadd.f32 v1, v23  }
0x2f: {  	v5 =	vadd.f32 v5, v23;
	v3 =	vsel vm12, v4, v3  }
0x30: {  	v12 =	vadd.f32 v8, v23;
	vm13 =	vlt.f32 v1, v3;
	v9 =	vadd.f32 v2, v23  }
0x31: {  	v13 =	vadd.f32 v10, v23;
	v0 =	vlaneseq.u32;
	v1 =	vsel vm13, v1, v3  }
0x32: {  	v14 =	vadd.f32 v11, v23;
	v7 =	vor.u32 $0x80000000, v0;
	vm14 =	vlt.f32 v9, v1  }
0x33: {  	v6 =	vor.u32 $0x80000010, v0;
	v1 =	vsel vm14, v9, v1;
	v9 =	vnsel vm0, $0xC0000000, v7  }
0x34: {  	v4 =	vor.u32 $0x80000020, v0;
	vm0 =	vlt.f32 v5, v1;
	v9 =	vsel vm1, v6, v9  }
0x35: {  	v2 =	vor.u32 $0x80000030, v0;
	v1 =	vsel vm0, v5, v1;
	v5 =	vsel vm2, v4, v9  }
0x36: {  	v3 =	vor.u32 $0x80000040, v0;
	vm1 =	vlt.f32 v12, v1;
	v5 =	vsel vm3, v2, v5  }
0x37: {  	v8 =	vor.u32 $0x80000050, v0;
	v1 =	vsel vm1, v12, v1;
	v5 =	vsel vm4, v3, v5  }
0x38: {  	v9 =	vor.u32 $0x80000060, v0;
	vm15 =	vlt.f32 v13, v1;
	v5 =	vsel vm5, v8, v5  }
0x39: {  	v10 =	vor.u32 $0x80000070, v0;
	v1 =	vsel vm15, v13, v1;
	v5 =	vsel vm6, v9, v5  }
0x3a: {  	v11 =	vor.u32 $0x80000080, v0;
	vm6 =	vlt.f32 v14, v1;
	v5 =	vsel vm7, v10, v5  }
0x3b: {  	v12 =	vor.u32 $0x80000090, v0;
	v1 =	vsel vm6, v14, v1;
	v5 =	vsel vm8, v11, v5  }
0x3c: {  	v13 =	vor.u32 $0x800000A0, v0;
	v5 =	vsel vm9, v12, v5;
	(xrf0) =	vmin.scan.msk.f32 $0xffff, v1  }
0x3d: {  	v14 =	vor.u32 $0x800000B0, v0;
	v5 =	vsel vm10, v13, v5  }
0x3e: {  	v15 =	vor.u32 $0x800000C0, v0;
	v5 =	vsel vm11, v14, v5  }
0x3f: {  	v16 =	vor.u32 $0x800000D0, v0;
	v5 =	vsel vm12, v15, v5  }
0x40: {  	v17 =	vor.u32 $0x800000E0, v0;
	v5 =	vsel vm13, v16, v5  }
0x41: {  	v19 =	vor.u32 $0x800000F0, v0;
	v5 =	vsel vm14, v17, v5  }
0x42: {  	v18 =	vor.u32 $0x80000100, v0;
	v5 =	vsel vm0, v19, v5;
	v21, _, _ =	vpop (xrf0)  }
0x43: {  	v20 =	vor.u32 $0x80000110, v0;
	v22 =	vbroadcast v21, $0xF;
	v5 =	vsel vm1, v18, v5  }
0x44: {  	v21 =	vor.u32 $0x80000120, v0;
	v5 =	vsel vm15, v20, v5  }
0x45: {  	vm15 =	veq.f32 v1, v22;
	v1 =	vsel vm6, v21, v5  }
0x46: {  	v1 =	vnsel vm15, $0xC0000000, v1  }
0x47: {  	v41 =	vimm.f32 $0.0e+00;
	v40 =	vimm.f32 $0.0e+00;
	(xrf0) =	vmin.scan.msk.u32 $0xffff, v1  }
0x48: {  	v39 =	vimm.f32 $0.0e+00;
	v38 =	vimm.f32 $0.0e+00;
	v37 =	vimm.f32 $0.0e+00  }
0x49: {  	v36 =	vimm.f32 $0.0e+00;
	v35 =	vimm.f32 $0.0e+00;
	v34 =	vimm.f32 $0.0e+00  }
0x4a: {  	v33 =	vimm.f32 $0.0e+00;
	v32 =	vimm.f32 $0.0e+00;
	v31 =	vimm.f32 $0.0e+00  }
0x4b: {  	v30 =	vimm.f32 $0.0e+00;
	v29 =	vimm.f32 $0.0e+00;
	v28 =	vimm.f32 $0.0e+00  }
0x4c: {  	v26 =	vimm.f32 $0.0e+00;
	v27 =	vimm.f32 $0.0e+00;
	v25 =	vimm.f32 $0.0e+00  }
0x4d: {  	v24 =	vimm.f32 $0.0e+00;
	s5 =	sadd.s32 $0x15E00, s5;
	s8 =	simm.s32 $0x1;
	s7 =	simm.s32 $0x2;
	v5 =	vimm.f32 $0.0e+00;
	v1 =	vimm.f32 $0.0e+00;
	v42, _, _ =	vpop (xrf0)  }
.LBB2_1:
0x4e: {  	(v2sf) =	vpush v42, $0xF;
	_ =	sdelay $0xc  }
0x4f: {  	p0 =	sne.s32 s7, $0x31  }
0x50: {  	s9 =	simm.s32 @!p0 $0x0  }
0x51: {  	s9 =	simm.s32 @p0 $0x1;
	s13 =	spop (v2sf)  }
0x52: {  	[smem:$0x7FD] =	sst s9;
	s10 =	sxor.u32 $0x80000000, s13  }
0x53: {  	p1 =	sgt.s32 s13, $0xFFFFFFFF;
	s9 =	sand.u32 $0xF, s13;
	p2 =	slt.s32 s10, $0x1  }
0x54: {  	s11 =	sshra.s32 s10, $0x1F;
	p3 =	sne.s32 s9, $0x0;
	p0 =	por p1, p2  }
0x55: {  	s14 =	sshrl.u32 s11, $0x1C;
	p0 =	por !p3, !p0  }
0x56: {  	s13 =	simm.s32 $0x1;
	s9 =	sadd.s32 s14, s10;
	p0 =	por !p0, !p0  }
0x57: {  	s12 =	sshra.s32 s9, $0x4;
	s13 =	simm.s32 @!p0 $0x0  }
0x58: {  	s17 =	ssub.s32 s12, s13  }
0x59: {  	s12 =	sshll.u32 s17, $0x4  }
0x5a: {  	p0 =	seq.s32 s17, $0x6;
	s10 =	ssub.s32 s10, s12  }
0x5b: {  	v43 =	vmov s10;
	s10 =	simm.s32 @!p0 $0x0  }
0x5c: {  	s6 =	sadd.s32 $0x80, s6;
	s10 =	simm.s32 @p0 $0x1;
	p0 =	seq.s32 s17, $0x7  }
0x5d: {  	s8 =	sshrl.u32 s8, $0x3;
	[smem:$0x7F4] =	sst s10;
	s10 =	simm.s32 @!p0 $0x0  }
0x5e: {  	s8 =	smul.u32 $0xC00, s8;
	s10 =	simm.s32 @p0 $0x1;
	p0 =	seq.s32 s17, $0x8  }
0x5f: {  	s15 =	sand.u32 $0x380, s6;
	[smem:$0x7F5] =	sst s10;
	s10 =	simm.s32 @!p0 $0x0  }
0x60: {  	s16 =	sor.u32 s15, s8;
	s10 =	simm.s32 @p0 $0x1;
	p0 =	seq.s32 s17, $0x9  }
0x61: {  	v57 =	vld [tilespmem:s16+$0x0];
	[smem:$0x7F6] =	sst s10;
	s10 =	simm.s32 @!p0 $0x0  }
0x62: {  	s10 =	simm.s32 @p0 $0x1;
	p0 =	seq.s32 s17, $0xA  }
0x63: {  	vm0 =	veq.s32 v43, v0;
	[smem:$0x7F7] =	sst s10;
	s10 =	simm.s32 @!p0 $0x0  }
0x64: {  	v58 =	vld [tilespmem:s16+$0x10];
	v44 =	vsel vm0, $0x7F800000, v23;
	s10 =	simm.s32 @p0 $0x1;
	p0 =	seq.s32 s17, $0x0  }
0x65: {  	v23 =	vpsel p0, v44, v23  }
0x66: {  	v59 =	vld [tilespmem:s16+$0x20];
	v42 =	vadd.f32 v57, v23  }
0x67: {  	p2 =	seq.s32 s17, $0x1;
	s11 =	sshll.u32 s17, $0x7;
	v45 =	vsel vm0, $0x7F800000, v41  }
0x68: {  	v63 =	vld [tilespmem:s16+$0x30];
	s11 =	sand.u32 $0xFFFFFC00, s11;
	v41 =	vpsel p2, v45, v41;
	vm1 =	vlt.f32 v42, $+Inf;
	vm2 =	vgt.f32 v42, $+Inf  }
0x69: {  	p1 =	seq.s32 s17, $0x2;
	s19 =	sadd.s32 s11, s4;
	s4 =	smov.u32 s16;
	v46 =	vsel vm0, $0x7F800000, v40;
	v43 =	vadd.f32 v58, v41;
	vm1 =	vmor vm2, vm1  }
0x6a: {  	v47 =	vld [tilespmem:s4+$0x40];
	v40 =	vpsel p1, v46, v40;
	v42 =	vnsel vm1, $0x7F800000, v42  }
0x6b: {  	p4 =	seq.s32 s17, $0x3;
	v60 =	vsel vm0, $0x7F800000, v39;
	v44 =	vadd.f32 v59, v40;
	vm2 =	vlt.f32 v43, v42  }
0x6c: {  	v54 =	vld [tilespmem:s4+$0x50];
	v39 =	vpsel p4, v60, v39;
	v42 =	vsel vm2, v43, v42  }
0x6d: {  	p3 =	seq.s32 s17, $0x4;
	v61 =	vsel vm0, $0x7F800000, v38;
	v46 =	vadd.f32 v63, v39;
	vm3 =	vlt.f32 v44, v42  }
0x6e: {  	v55 =	vld [tilespmem:s4+$0x60];
	v38 =	vpsel p3, v61, v38;
	s20 =	sld [smem:$0x7F4];
	v42 =	vsel vm3, v44, v42  }
0x6f: {  	p5 =	seq.s32 s17, $0x5;
	v62 =	vsel vm0, $0x7F800000, v37;
	v47 =	vadd.f32 v47, v38;
	vm4 =	vlt.f32 v46, v42  }
0x70: {  	v37 =	vpsel p5, v62, v37;
	s22 =	sld [smem:$0x7F5];
	v57 =	vld [tilespmem:s4+$0x70];
	v42 =	vsel vm4, v46, v42  }
0x71: {  	v52 =	vsel vm0, $0x7F800000, v36;
	p4 =	seq.s32 s20, $0x1;
	s23 =	sld [smem:$0x7F6];
	v43 =	vadd.f32 v54, v37;
	vm5 =	vlt.f32 v47, v42  }
0x72: {  	p6 =	seq.s32 s17, $0xB;
	s18 =	sand.u32 $0x70, s12;
	v53 =	vsel vm0, $0x7F800000, v35;
	v36 =	vpsel p4, v52, v36;
	s24 =	sld [smem:$0x7F7];
	v59 =	vld [tilespmem:s4+$0x400];
	v42 =	vsel vm5, v47, v42  }
0x73: {  	v48 =	vsel vm0, $0x7F800000, v34;
	p5 =	seq.s32 s22, $0x1;
	[smem:$0x7F8] =	sst s10;
	s10 =	simm.s32 @!p6 $0x0;
	v44 =	vadd.f32 v55, v36;
	vm6 =	vlt.f32 v43, v42  }
0x74: {  	s21 =	sor.u32 s18, s19;
	v49 =	vsel vm0, $0x7F800000, v33;
	v61 =	vld [tilespmem:s4+$0x410];
	v35 =	vpsel p5, v53, v35;
	s10 =	simm.s32 @p6 $0x1;
	s25 =	sld [smem:$0x7F8];
	v42 =	vsel vm6, v43, v42  }
0x75: {  	v56 =	vsel vm0, $0x7F800000, v32;
	v45 =	vld [tilespmem:s21+$0x5400];
	p4 =	seq.s32 s23, $0x1;
	[smem:$0x7F9] =	sst s10;
	v46 =	vadd.f32 v57, v35;
	vm7 =	vlt.f32 v44, v42  }
0x76: {  	v50 =	vsel vm0, $0x7F800000, v30;
	v52 =	vld [tilespmem:s4+$0x420];
	p6 =	seq.s32 s17, $0xC;
	v34 =	vpsel p4, v48, v34;
	s26 =	sld [smem:$0x7F9];
	v42 =	vsel vm7, v44, v42  }
0x77: {  	v60 =	vsel vm0, $0x7F800000, v29;
	s10 =	simm.s32 @!p6 $0x0;
	p5 =	seq.s32 s24, $0x1;
	v47 =	vadd.f32 v59, v34;
	vm8 =	vlt.f32 v46, v42  }
0x78: {  	v58 =	vsel vm0, $0x7F800000, v31;
	p0 =	seq.s32 s17, $0xE;
	s10 =	simm.s32 @p6 $0x1;
	v33 =	vpsel p5, v49, v33;
	p4 =	seq.s32 s25, $0x1;
	v54 =	vld [tilespmem:s4+$0x430];
	v42 =	vsel vm8, v46, v42  }
0x79: {  	[smem:$0x7FA] =	sst s10;
	s10 =	simm.s32 @!p0 $0x0;
	v32 =	vpsel p4, v56, v32;
	p5 =	seq.s32 s26, $0x1;
	v43 =	vadd.f32 v61, v33;
	vm9 =	vlt.f32 v47, v42  }
0x7a: {  	s11 =	sor.u32 s18, s11;
	s10 =	simm.s32 @p0 $0x1;
	s28 =	sld [smem:$0x7FA];
	v31 =	vpsel p5, v58, v31;
	v58 =	vmul.f32 $1.442695020e+00, v45;
	v57 =	vld [tilespmem:s4+$0x440];
	v42 =	vsel vm9, v47, v42  }
0x7b: {  	v62 =	vsel vm0, $0x7F800000, v28;
	v48 =	vld [tilespmem:s11+$0x9D00];
	[smem:$0x7FB] =	sst s10;
	v44 =	vadd.f32 v52, v32;
	vm10 =	vlt.f32 v43, v42  }
0x7c: {  	p2 =	seq.s32 s17, $0xF;
	v63 =	vsel vm0, $0x7F800000, v26;
	s29 =	sld [smem:$0x7FB];
	(erf) = vpow2.f32 v58;
	v59 =	vld [tilespmem:s4+$0x450];
	v42 =	vsel vm10, v43, v42  }
0x7d: {  	v26 =	vpsel p2, v63, v26;
	p6 =	seq.s32 s17, $0xD;
	p0 =	seq.s32 s17, $0x10;
	p4 =	seq.s32 s28, $0x1;
	v46 =	vadd.f32 v54, v31;
	vm11 =	vlt.f32 v44, v42  }
0x7e: {  	v29 =	vpsel p6, v60, v29;
	v60 =	vld [tilespmem:s4+$0x460];
	s10 =	simm.s32 @!p0 $0x0;
	v30 =	vpsel p4, v50, v30;
	v42 =	vsel vm11, v44, v42  }
0x7f: {  	v53 =	vsel vm0, $0x7F800000, v27;
	s10 =	simm.s32 @p0 $0x1;
	p5 =	seq.s32 s29, $0x1;
	v61 =	vadd.f32 v57, v30;
	vm12 =	vlt.f32 v46, v42  }
0x80: {  	v56 =	vsel vm0, $0x7F800000, v24;
	[smem:$0x7FC] =	sst s10;
	v28 =	vpsel p5, v62, v28;
	v62 =	vld [tilespmem:s4+$0x470];
	v42 =	vsel vm12, v46, v42  }
0x81: {  	p0 =	seq.s32 s17, $0x12;
	v45 =	vsub.f32 v48, v45;
	s30 =	sld [smem:$0x7FC];
	v43 =	vadd.f32 v59, v29;
	vm13 =	vlt.f32 v61, v42  }
0x82: {  	v63 =	vld [tilespmem:s4+$0x800];
	v24 =	vpsel p0, v56, v24;
	v55 =	vsel vm0, $0x7F800000, v25;
	v42 =	vsel vm13, v61, v42  }
0x83: {  	p1 =	seq.s32 s17, $0x11;
	v45 =	vnsel vm0, $0x0, v45;
	v44 =	vadd.f32 v60, v28;
	vm14 =	vlt.f32 v43, v42  }
0x84: {  	v25 =	vpsel p1, v55, v25;
	v5 =	vadd.f32 v45, v5;
	p6 =	seq.s32 s30, $0x1;
	v52 =	vld [tilespmem:s4+$0x810];
	v42 =	vsel vm14, v43, v42  }
0x85: {  	v27 =	vpsel p6, v53, v27;
	v53 =	vpop (erf);
	v46 =	vadd.f32 v62, v26;
	vm15 =	vlt.f32 v44, v42  }
0x86: {  	v55 =	vnsel vm1, $0xC0000000, v7;
	v54 =	vld [tilespmem:s4+$0x820];
	v22 =	vadd.f32 v22, v53;
	v42 =	vsel vm15, v44, v42  }
0x87: {  	v56 =	vsel vm2, v6, v55;
	v45 =	vadd.f32 v63, v27;
	vm1 =	vlt.f32 v46, v42  }
0x88: {  	v57 =	vsel vm3, v4, v56;
	v22 =	vmul.f32 $2.000000030e-01, v22;
	v42 =	vsel vm1, v46, v42  }
0x89: {  	v43 =	vadd.f32 v52, v25;
	v46 =	vsel vm4, v2, v57;
	vm2 =	vlt.f32 v45, v42  }
0x8a: {  	v22 =	vnsel vm0, $0x0, v22;
	v58 =	vsel vm5, v3, v46;
	v42 =	vsel vm2, v45, v42  }
0x8b: {  	v44 =	vadd.f32 v54, v24;
	v45 =	vsel vm6, v8, v58;
	vm0 =	vlt.f32 v43, v42  }
0x8c: {  	v59 =	vsel vm7, v9, v45;
	v42 =	vsel vm0, v43, v42  }
0x8d: {  	v1 =	vadd.f32 v22, v1;
	v22 =	vsel vm8, v10, v59;
	vm7 =	vlt.f32 v44, v42  }
0x8e: {  	v22 =	vsel vm9, v11, v22;
	v42 =	vsel vm7, v44, v42  }
0x8f: {  	v22 =	vsel vm10, v12, v22;
	(xrf0) =	vmin.scan.msk.f32 $0xffff, v42  }
0x90: {  	v22 =	vsel vm11, v13, v22  }
0x91: {  	v22 =	vsel vm12, v14, v22  }
0x92: {  	v22 =	vsel vm13, v15, v22  }
0x93: {  	v60 =	vsel vm14, v16, v22  }
0x94: {  	v61 =	vsel vm15, v17, v60  }
0x95: {  	v62 =	vsel vm1, v19, v61;
	v22, _, _ =	vpop (xrf0)  }
0x96: {  	v43 =	vsel vm2, v18, v62;
	v22 =	vbroadcast v22, $0xF  }
0x97: {  	v43 =	vsel vm0, v20, v43  }
0x98: {  	s31 =	sld [smem:$0x7FD];
	v63 =	vsel vm7, v21, v43;
	vm15 =	veq.f32 v42, v22  }
0x99: {  	v42 =	vnsel vm15, $0xC0000000, v63  }
0x9a: {  	(xrf0) =	vmin.scan.msk.u32 $0xffff, v42  }
0x9b: {  	p0 =	seq.s32 s31, $0x1  }
.Ltmp0:
0x9c: {  	_ = 	snop;
	(pc) =	sbr.rel @p0 .LBB2_1-.Ltmp0, $2  }
0x9d: {  	_ =	sdelay $0x2  }
0x9e: {  	s8 =	smov.u32 s7;
	s7 =	sadd.s32 $0x1, s7;
	v42, _, _ =	vpop (xrf0)  }
0x9f: {  	(v2sf) =	vpush v42, $0xF;
	_ =	sdelay $0xe  }
0xa0: {  	s7 =	spop (v2sf)  }
0xa1: {  	s6 =	sadd.s32 $0x80, s6;
	s9 =	sxor.u32 $0x80000000, s7  }
0xa2: {  	p1 =	sgt.s32 s7, $0xFFFFFFFF;
	s7 =	sand.u32 $0xF, s7;
	p0 =	slt.s32 s9, $0x1  }
0xa3: {  	s10 =	sshra.s32 s9, $0x1F;
	p6 =	sne.s32 s7, $0x0;
	p0 =	por p1, p0  }
0xa4: {  	s18 =	sshrl.u32 s8, $0x3;
	s19 =	sshrl.u32 s10, $0x1C;
	p0 =	por !p6, !p0  }
0xa5: {  	s10 =	simm.s32 $0x1;
	s8 =	sadd.s32 s19, s9;
	p0 =	por !p0, !p0  }
0xa6: {  	s7 =	smul.u32 $0xC00, s18;
	s8 =	sshra.s32 s8, $0x4;
	s10 =	simm.s32 @!p0 $0x0  }
0xa7: {  	s6 =	sand.u32 $0x380, s6;
	s8 =	ssub.s32 s8, s10  }
0xa8: {  	s6 =	sor.u32 s6, s7;
	s20 =	sshll.u32 s8, $0x4  }
0xa9: {  	v52 =	vld [tilespmem:s6+$0x0];
	s9 =	ssub.s32 s9, s20  }
0xaa: {  	v43 =	vmov s9  }
0xab: {  	vm0 =	veq.s32 v43, v0  }
0xac: {  	v53 =	vld [tilespmem:s6+$0x10];
	p2 =	seq.s32 s8, $0x0;
	v44 =	vsel vm0, $0x7F800000, v23  }
0xad: {  	v23 =	vpsel p2, v44, v23  }
0xae: {  	v54 =	vld [tilespmem:s6+$0x20];
	v23 =	vadd.f32 v52, v23  }
0xaf: {  	p3 =	seq.s32 s8, $0x1;
	v55 =	vsel vm0, $0x7F800000, v41  }
0xb0: {  	v56 =	vld [tilespmem:s6+$0x30];
	v41 =	vpsel p3, v55, v41;
	vm1 =	vlt.f32 v23, $+Inf;
	vm2 =	vgt.f32 v23, $+Inf  }
0xb1: {  	p4 =	seq.s32 s8, $0x2;
	v45 =	vsel vm0, $0x7F800000, v40;
	v41 =	vadd.f32 v53, v41;
	vm1 =	vmor vm2, vm1  }
0xb2: {  	v57 =	vld [tilespmem:s6+$0x40];
	v40 =	vpsel p4, v45, v40;
	v23 =	vnsel vm1, $0x7F800000, v23  }
0xb3: {  	p5 =	seq.s32 s8, $0x3;
	v58 =	vsel vm0, $0x7F800000, v39;
	v40 =	vadd.f32 v54, v40;
	vm2 =	vlt.f32 v41, v23  }
0xb4: {  	v59 =	vld [tilespmem:s6+$0x50];
	v39 =	vpsel p5, v58, v39;
	v23 =	vsel vm2, v41, v23  }
0xb5: {  	p6 =	seq.s32 s8, $0x4;
	v60 =	vsel vm0, $0x7F800000, v38;
	v39 =	vadd.f32 v56, v39;
	vm3 =	vlt.f32 v40, v23  }
0xb6: {  	v61 =	vld [tilespmem:s6+$0x60];
	v38 =	vpsel p6, v60, v38;
	v23 =	vsel vm3, v40, v23  }
0xb7: {  	p1 =	seq.s32 s8, $0x5;
	v62 =	vsel vm0, $0x7F800000, v37;
	v38 =	vadd.f32 v57, v38;
	vm4 =	vlt.f32 v39, v23  }
0xb8: {  	v63 =	vld [tilespmem:s6+$0x70];
	v37 =	vpsel p1, v62, v37;
	v23 =	vsel vm4, v39, v23  }
0xb9: {  	p2 =	seq.s32 s8, $0x6;
	v45 =	vsel vm0, $0x7F800000, v36;
	v37 =	vadd.f32 v59, v37;
	vm5 =	vlt.f32 v38, v23  }
0xba: {  	v46 =	vld [tilespmem:s6+$0x400];
	v36 =	vpsel p2, v45, v36;
	v23 =	vsel vm5, v38, v23  }
0xbb: {  	v47 =	vsel vm0, $0x7F800000, v35;
	p3 =	seq.s32 s8, $0x7;
	v36 =	vadd.f32 v61, v36;
	vm6 =	vlt.f32 v37, v23  }
0xbc: {  	v48 =	vld [tilespmem:s6+$0x410];
	v35 =	vpsel p3, v47, v35;
	v23 =	vsel vm6, v37, v23  }
0xbd: {  	v49 =	vsel vm0, $0x7F800000, v34;
	p4 =	seq.s32 s8, $0x8;
	v35 =	vadd.f32 v63, v35;
	vm7 =	vlt.f32 v36, v23  }
0xbe: {  	v50 =	vld [tilespmem:s6+$0x420];
	v34 =	vpsel p4, v49, v34;
	v23 =	vsel vm7, v36, v23  }
0xbf: {  	v51 =	vsel vm0, $0x7F800000, v33;
	p5 =	seq.s32 s8, $0x9;
	v34 =	vadd.f32 v46, v34;
	vm8 =	vlt.f32 v35, v23  }
0xc0: {  	v33 =	vpsel p5, v51, v33;
	v52 =	vld [tilespmem:s6+$0x430];
	v23 =	vsel vm8, v35, v23  }
0xc1: {  	p6 =	seq.s32 s8, $0xA;
	v53 =	vsel vm0, $0x7F800000, v32;
	v33 =	vadd.f32 v48, v33;
	vm9 =	vlt.f32 v34, v23  }
0xc2: {  	v54 =	vld [tilespmem:s6+$0x440];
	v32 =	vpsel p6, v53, v32;
	v23 =	vsel vm9, v34, v23  }
0xc3: {  	p1 =	seq.s32 s8, $0xB;
	v55 =	vsel vm0, $0x7F800000, v31;
	v32 =	vadd.f32 v50, v32;
	vm10 =	vlt.f32 v33, v23  }
0xc4: {  	v31 =	vpsel p1, v55, v31;
	v56 =	vld [tilespmem:s6+$0x450];
	v23 =	vsel vm10, v33, v23  }
0xc5: {  	p2 =	seq.s32 s8, $0xC;
	v57 =	vsel vm0, $0x7F800000, v30;
	v31 =	vadd.f32 v52, v31;
	vm11 =	vlt.f32 v32, v23  }
0xc6: {  	v58 =	vld [tilespmem:s6+$0x460];
	v30 =	vpsel p2, v57, v30;
	v23 =	vsel vm11, v32, v23  }
0xc7: {  	v60 =	vld [tilespmem:s6+$0x470];
	p3 =	seq.s32 s8, $0xD;
	v59 =	vsel vm0, $0x7F800000, v29;
	v30 =	vadd.f32 v54, v30;
	vm12 =	vlt.f32 v31, v23  }
0xc8: {  	v29 =	vpsel p3, v59, v29;
	v23 =	vsel vm12, v31, v23  }
0xc9: {  	p4 =	seq.s32 s8, $0xE;
	v61 =	vsel vm0, $0x7F800000, v28;
	v29 =	vadd.f32 v56, v29;
	vm13 =	vlt.f32 v30, v23  }
0xca: {  	v62 =	vsel vm0, $0x7F800000, v26;
	p5 =	seq.s32 s8, $0xF;
	v63 =	vld [tilespmem:s6+$0x800];
	v28 =	vpsel p4, v61, v28;
	v23 =	vsel vm13, v30, v23  }
0xcb: {  	v26 =	vpsel p5, v62, v26;
	v28 =	vadd.f32 v58, v28;
	vm14 =	vlt.f32 v29, v23  }
0xcc: {  	v26 =	vadd.f32 v60, v26;
	v7 =	vnsel vm1, $0xC0000000, v7;
	v37 =	vld [tilespmem:s6+$0x810];
	v23 =	vsel vm14, v29, v23  }
0xcd: {  	p6 =	seq.s32 s8, $0x10;
	v6 =	vsel vm2, v6, v7;
	v36 =	vsel vm0, $0x7F800000, v27;
	vm15 =	vlt.f32 v28, v23  }
0xce: {  	v40 =	vld [tilespmem:s6+$0x820];
	v4 =	vsel vm3, v4, v6;
	v27 =	vpsel p6, v36, v27;
	v23 =	vsel vm15, v28, v23  }
0xcf: {  	p2 =	seq.s32 s8, $0x11;
	v38 =	vsel vm0, $0x7F800000, v25;
	v27 =	vadd.f32 v63, v27;
	vm1 =	vlt.f32 v26, v23  }
0xd0: {  	v39 =	vsel vm0, $0x7F800000, v24;
	v41 =	vpsel p2, v38, v25;
	v23 =	vsel vm1, v26, v23  }
0xd1: {  	p3 =	seq.s32 s8, $0x12;
	v2 =	vsel vm4, v2, v4;
	v42 =	vadd.f32 v37, v41;
	vm2 =	vlt.f32 v27, v23  }
0xd2: {  	v43 =	vpsel p3, v39, v24;
	v2 =	vsel vm5, v3, v2;
	v44 =	vsel vm2, v27, v23  }
0xd3: {  	v45 =	vadd.f32 v40, v43;
	v2 =	vsel vm6, v8, v2;
	vm3 =	vlt.f32 v42, v44  }
0xd4: {  	v2 =	vsel vm7, v9, v2;
	v46 =	vsel vm3, v42, v44  }
0xd5: {  	v2 =	vsel vm8, v10, v2;
	vm4 =	vlt.f32 v45, v46  }
0xd6: {  	v2 =	vsel vm9, v11, v2;
	v3 =	vsel vm4, v45, v46  }
0xd7: {  	v2 =	vsel vm10, v12, v2;
	(xrf0) =	vmin.scan.msk.f32 $0xffff, v3  }
0xd8: {  	v2 =	vsel vm11, v13, v2  }
0xd9: {  	v2 =	vsel vm12, v14, v2  }
0xda: {  	v2 =	vsel vm13, v15, v2  }
0xdb: {  	v2 =	vsel vm14, v16, v2  }
0xdc: {  	v2 =	vsel vm15, v17, v2  }
0xdd: {  	v2 =	vsel vm1, v19, v2;
	v47, _, _ =	vpop (xrf0)  }
0xde: {  	v2 =	vsel vm2, v18, v2;
	v4 =	vbroadcast v47, $0xF  }
0xdf: {  	v2 =	vsel vm3, v20, v2  }
0xe0: {  	v2 =	vsel vm4, v21, v2;
	vm11 =	veq.f32 v3, v4  }
0xe1: {  	v2 =	vnsel vm11, $0xC0000000, v2  }
0xe2: {  	(xrf0) =	vmin.scan.msk.u32 $0xffff, v2;
	_ =	sdelay $0x5  }
0xe3: {  	v2, _, _ =	vpop (xrf0)  }
0xe4: {  	(v2sf) =	vpush v2, $0xF;
	_ =	sdelay $0xe  }
0xe5: {  	s21 =	spop (v2sf)  }
0xe6: {  	s7 =	sand.u32 $0x70, s20;
	s22 =	sxor.u32 $0x80000000, s21  }
0xe7: {  	p5 =	sgt.s32 s21, $0xFFFFFFFF;
	s9 =	sand.u32 $0xF, s21;
	p4 =	slt.s32 s22, $0x1  }
0xe8: {  	p6 =	sne.s32 s9, $0x0;
	s23 =	sshra.s32 s22, $0x1F;
	p0 =	por p5, p4  }
0xe9: {  	s8 =	sshll.u32 s8, $0x7;
	s9 =	sshrl.u32 s23, $0x1C;
	p0 =	por !p6, !p0  }
0xea: {  	s8 =	sand.u32 $0xFFFFFC00, s8;
	s9 =	sadd.s32 s9, s22;
	p0 =	por !p0, !p0  }
0xeb: {  	s4 =	sadd.s32 s8, s4;
	s9 =	sshra.s32 s9, $0x4;
	s3 =	simm.s32 @!p0 $0x0  }
0xec: {  	s4 =	sor.u32 s7, s4;
	s3 =	ssub.s32 s9, s3  }
0xed: {  	v48 =	vld [tilespmem:s4+$0x5400];
	s9 =	sshll.u32 s3, $0x7  }
0xee: {  	s3 =	sshll.u32 s3, $0x4;
	s24 =	sand.u32 $0xFFFFFC00, s9  }
0xef: {  	s25 =	sand.u32 $0x70, s3;
	s6 =	sadd.s32 s24, s6  }
0xf0: {  	s6 =	sor.u32 s25, s6  }
0xf1: {  	v49 =	vld [tilespmem:s6+$0x5400]  }
0xf2: {  	v50 =	vmul.f32 $1.442695020e+00, v48;
	_ =	sdelay $0x1  }
0xf3: {  	(erf) = vpow2.f32 v50;
	_ =	sdelay $0x1  }
0xf4: {  	v51 =	vmul.f32 $1.442695020e+00, v49;
	_ =	sdelay $0x1  }
0xf5: {  	(erf) = vpow2.f32 v51  }
0xf6: {  	s26 =	sor.u32 s7, s8  }
0xf7: {  	v52 =	vld [tilespmem:s26+$0x9D00]  }
0xf8: {  	s4 =	sor.u32 s25, s24  }
0xf9: {  	v53 =	vld [tilespmem:s4+$0x9D00]  }
0xfa: {  	v54 =	vpop (erf)  }
0xfb: {  	v55 =	vadd.f32 v22, v54  }
0xfc: {  	v2 =	vsub.f32 v52, v48  }
0xfd: {  	v56 =	vld [tilespmem:$0xA520];
	v6 =	vmul.f32 $2.000000030e-01, v55;
	s3 =	ssub.s32 s22, s3  }
0xfe: {  	v2 =	vnsel vm0, $0x0, v2;
	v57 =	vmov s3;
	v3 =	vsub.f32 v53, v49;
	v58 =	vpop (erf)  }
0xff: {  	v2 =	vadd.f32 v2, v5;
	vm12 =	veq.s32 v57, v0;
	v59 =	vadd.f32 v4, v58  }
0x100: {  	v60 =	vnsel vm0, $0x0, v6;
	v3 =	vnsel vm12, $0x0, v3  }
0x101: {  	vm13 =	vmmov $0x7fff;
	v2 =	vadd.f32 v3, v2;
	v0 =	vmul.f32 $2.000000030e-01, v59  }
0x102: {  	v1 =	vadd.f32 v60, v1;
	v61 =	vsel vm13, $0x0, v56  }
0x103: {  	v2 =	vadd.f32 v61, v2;
	v0 =	vnsel vm12, $0x0, v0  }
0x104: {  	v0 =	vadd.f32 v0, v1  }
0x105: {  	(xrf2) =	vadd.scan.msk.f32 $0xffff, v2  }
0x106: {  	(xrf2) =	vadd.scan.msk.f32 $0xffff, v0;
	_ =	sdelay $0x8  }
0x107: {  	v62, _, _ =	vpop (xrf2)  }
0x108: {  	v63, _, _ =	vpop (xrf2)  }
0x109: {  	v1 =	vbroadcast v63, $0xF  }
0x10a: {  	vm14 =	vcmask $0x704;
	v0 =	vbroadcast v62, $0xF  }
0x10b: {  	vm15 =	vcmask $0x3F04;
	v1 =	vnsel vm14, $0x0, v1  }
0x10c: {  	s28 =	sshll.u32 s2, $0x1;
	s29 =	simm.s32 $0x0;
	v0 =	vsel vm15, v1, v0  }
0x10d: {  	s30 =	simm.s32 $0xA900;
	s31 =	simm.s32 $0x3;
	s3 =	sadd.s32 s5, s28;
	[tilespmem:$0xA900] =	vst v0  }
0x10e: {  	[hbm4b:s3+s29] =	stream.linear.scatter [tilespmem:s30], [sflag:$0x3], $0x10, $0x38;
	[tilespmem:$0xA980] =	vst v63  }
0x10f: {  	_ =	swait.ge [sflag:s31], $0x10  }
0x110: {  	[sflag:s31] =	ssyncset.done $0x0  }
0x111: {  	[sflag:s31] =	ssyncadd.s32 $0xFFFFFFF0  }
0x112: {  	p0 =	sne.s32 s2, $0x0;
	[bflag:$0x0] =	sbarrier.arrive $0xFFFF  }
0x113: {  	_ =	sfence.sel @p0 $0x180000  }
0x114: {  	[bflag:$0x0] =	sbarrier.arrive @p0 $0xFFFF  }
0x115: {  	_ =	strace @p0 $0x90000047  }
0x116: {  	s2 =	simm.s32 @!p0 $0x0;
	s3 =	simm.s32 @!p0 $0xA800;
	[bflag:$0x2] =	sbarrier.arrive @p0 $0xFFFF  }
0x117: {  	[tilespmem:s3], [sflag:$0x3] =	stream.linear.gather @!p0 [hbm4b:s5+s2], $0x100, $0x38;
	[tilespmem:$0xA980] =	vst v63  }
0x118: {  	s3 =	simm.s32 @!p0 $0x3  }
0x119: {  	_ =	swait.ge @!p0 [sflag:s3], $0x100  }
0x11a: {  	[sflag:s3] =	ssyncset.done @!p0 $0x0  }
0x11b: {  	[sflag:s3] =	ssyncadd.s32 @!p0 $0xFFFFFF00  }
0x11c: {  	v0 =	vld @!p0 [tilespmem:$0xA800];
	_ =	sdelay $0x1  }
0x11d: {  	v1 =	vld @!p0 [tilespmem:$0xA810];
	_ =	sdelay $0x1  }
0x11e: {  	v2 =	vld @!p0 [tilespmem:$0xA820]  }
0x11f: {  	v0 =	vadd.f32 @!p0 $0.0e+00, v0  }
0x120: {  	v3 =	vld @!p0 [tilespmem:$0xA830]  }
0x121: {  	v0 =	vadd.f32 @!p0 v1, v0  }
0x122: {  	v1 =	vld @!p0 [tilespmem:$0xA840]  }
0x123: {  	v0 =	vadd.f32 @!p0 v2, v0  }
0x124: {  	v2 =	vld @!p0 [tilespmem:$0xA850]  }
0x125: {  	v0 =	vadd.f32 @!p0 v3, v0  }
0x126: {  	v3 =	vld @!p0 [tilespmem:$0xA860]  }
0x127: {  	v0 =	vadd.f32 @!p0 v1, v0  }
0x128: {  	v1 =	vld @!p0 [tilespmem:$0xA870]  }
0x129: {  	v0 =	vadd.f32 @!p0 v2, v0  }
0x12a: {  	v2 =	vld @!p0 [tilespmem:$0xA880]  }
0x12b: {  	v0 =	vadd.f32 @!p0 v3, v0  }
0x12c: {  	v3 =	vld @!p0 [tilespmem:$0xA890]  }
0x12d: {  	v0 =	vadd.f32 @!p0 v1, v0  }
0x12e: {  	v1 =	vld @!p0 [tilespmem:$0xA8A0]  }
0x12f: {  	v0 =	vadd.f32 @!p0 v2, v0  }
0x130: {  	v2 =	vld @!p0 [tilespmem:$0xA8B0]  }
0x131: {  	v0 =	vadd.f32 @!p0 v3, v0  }
0x132: {  	v3 =	vld @!p0 [tilespmem:$0xA8C0]  }
0x133: {  	v0 =	vadd.f32 @!p0 v1, v0  }
0x134: {  	v1 =	vld @!p0 [tilespmem:$0xA8D0]  }
0x135: {  	v0 =	vadd.f32 @!p0 v2, v0  }
0x136: {  	v2 =	vld @!p0 [tilespmem:$0xA8E0]  }
0x137: {  	v0 =	vadd.f32 @!p0 v3, v0  }
0x138: {  	v3 =	vld @!p0 [tilespmem:$0xA8F0]  }
0x139: {  	v0 =	vadd.f32 @!p0 v1, v0;
	_ =	sdelay $0x1  }
0x13a: {  	v0 =	vadd.f32 @!p0 v2, v0  }
0x13b: {  	vm0 =	vcmask @!p0 $0x300;
	v1 =	vimm.f32 @!p0 $0.0e+00  }
0x13c: {  	v1 =	vsel @!p0 vm0, $0x395A740E, v1;
	vm0 =	vcmask @!p0 $0x704;
	v0 =	vadd.f32 @!p0 v3, v0  }
0x13d: {  	v1 =	vsel @!p0 vm0, $0x3AA3D70A, v1  }
0x13e: {  	v0 =	vmul.f32 @!p0 v1, v0;
	_ =	sdelay $0x1  }
0x13f: {  	s4 =	simm.s32 @!p0 $0xA900;
	[tilespmem:$0xA900] =	vst @!p0 v0  }
0x140: {  	[hbm4b:s1+s2] =	stream.linear.scatter @!p0 [tilespmem:s4], [sflag:$0x3], $0x2, $0x38;
	[tilespmem:$0xA980] =	vst v63  }
0x141: {  	_ =	swait.ge @!p0 [sflag:s3], $0x2  }
0x142: {  	[sflag:s3] =	ssyncset.done @!p0 $0x0  }
0x143: {  	[sflag:s3] =	ssyncadd.s32 @!p0 $0xFFFFFFFE  }
0x144: {  	_ =	sfence.sel @!p0 $0x180000  }
0x145: {  	[bflag:$0x0] =	sbarrier.arrive @!p0 $0xFFFF  }
0x146: {  	_ =	strace @!p0 $0x90000047  }
0x147: {  	s0 =	sadd.s32 @!p0 $0x100000, s0;
	[bflag:$0x2] =	sbarrier.arrive @!p0 $0xFFFF  }
0x148: {  	[sflag:s0] =	ssyncadd.tile.s32 @!p0 $0x1;
	_ =	shalt  }
.Lfunc_end2:
_tile_overlayer_lowered:
.L_overlay_start_2:
0x149: {  	(tag) =	ssettag $0x2  }
0x14a: {  	s0 =	rddreg [dreg:$0x0];
	s2 =	stileid.u32  }
0x14b: {  	s1 =	rddreg [dreg:$0x1];
	p0 =	sne.s32 s2, $0x0  }
0x14c: {  	s3 =	rddreg [dreg:$0x2];
	[bflag:$0x3] =	sbarrier.arrive $0xFFFF;
	s2 =	simm.s32 @!p0 $0x1C03  }
0x14d: {  	[timem:s3], [sflag:s2] =	dma.local @!p0 [hbm:s0], s1  }
0x14e: {  	s0 =	simm.s32 @!p0 $0x3  }
0x14f: {  	_ =	swait.ge @!p0 [sflag:s0], s1  }
0x150: {  	s1 =	ssub.s32 @!p0 $0x0, s1;
	[sflag:s0] =	ssyncset.done @!p0 $0x0  }
0x151: {  	[sflag:s0] =	ssyncadd.s32 @!p0 s1  }
0x152: {  	[bflag:$0x3] =	sbarrier.arrive $0xFFFF  }
0x153: {  	_ =	shalt  }

</sc_bundles>
